<compile_context>
chip_gen: v7x
topology: tpu7x:2x2x1
jax: 0.10.2.dev20260603
libtpu: 0.0.44.dev20260713+nightly
codegen_flags: <defaults>
</compile_context>

<pallas_src>
import functools

import jax
import jax.numpy as jnp
from jax import lax
from jax.experimental import pallas as pl
from jax.experimental.pallas import tpu as pltpu
from jax.experimental.pallas import tpu_sc as plsc

_C, _L, _G, _M, _DEPTH = 8, 4, 16, 8192, 6
_NN = (4 ** (_DEPTH + 1) - 1) // 3
_NI = (4 ** _DEPTH - 1) // 3
_NLV = 4 ** _DEPTH
_OFF = [(4 ** k - 1) // 3 for k in range(_DEPTH + 1)]
_NPAD = 5632
_CG = _C * _G


def _iota(shape, dim):
    return lax.broadcasted_iota(jnp.int32, shape, dim)


def _eyef(n):
    return (_iota((n, n), 0) == _iota((n, n), 1)).astype(jnp.float32)


def _tr(x):
    a = x.shape[0]
    return lax.dot_general(x, _eyef(a), (((0,), (0,)), ((), ())),
                           preferred_element_type=jnp.float32)


def _sc_gather_body(table_hbm, idx_hbm, out_hbm, idx_v, rows_v, sem):
    wid = lax.axis_index("s") * 2 + lax.axis_index("c")
    base = wid * 2
    pltpu.sync_copy(idx_hbm.at[pl.ds(base, 2)], idx_v)
    cp0 = pltpu.async_copy(table_hbm.at[idx_v.at[0]], rows_v.at[0], sem)
    cp1 = pltpu.async_copy(table_hbm.at[idx_v.at[1]], rows_v.at[1], sem)
    cp0.wait()
    cp1.wait()
    pltpu.sync_copy(rows_v, out_hbm.at[pl.ds(base, 2)])


def _tc_stats_body(bt_ref, pirow_ref, bmax_ref, z_ref, beta6_ref):
    f32 = jnp.float32
    gsum = (_iota((128, 128), 0) % 16 ==
            _iota((128, 128), 1) % 16).astype(f32)
    r8 = (_iota((8, 128), 0) == _iota((8, 128), 1) // 16).astype(f32)
    m3 = (_iota((64, 128), 0) % 16 == _iota((64, 128), 1) % 16).astype(f32)
    k4 = (_iota((4, 64), 1) // 16 == _iota((4, 64), 0)).astype(f32)

    bt = bt_ref[...]
    bmax = jnp.max(bt, axis=0, keepdims=True)
    ex = jnp.exp(bt - bmax)
    z = jnp.sum(ex, axis=0, keepdims=True)
    bmax_ref[...] = bmax
    z_ref[...] = z

    pr = pirow_ref[...]
    pm = jnp.max(pr, axis=1, keepdims=True)
    pe = jnp.exp(pr - pm)
    sm_pr = pe / jnp.sum(pe, axis=1, keepdims=True)

    sl = ex[_NI:_NN, :] / z
    p4 = jnp.dot(k4, jnp.dot(sm_pr, r8, preferred_element_type=f32) * m3,
                 preferred_element_type=f32)
    p4t = jnp.broadcast_to(p4[None], (_NLV // 4, 4, _CG)).reshape(_NLV, _CG)
    bl = sl * p4t
    beta6_ref[...] = bl / jnp.dot(bl, gsum, preferred_element_type=f32)


def _tc_body(gn_ref, bmax_ref, z_ref, beta6_ref, arow_ref, pirow_ref, sp_ref,
             o_ref):
    f32 = jnp.float32
    r512_128 = (_iota((512, 128), 0) % 16 == _iota((512, 128), 1) % 16)
    m2 = r512_128.astype(f32)
    gsum = (_iota((128, 128), 0) % 16 ==
            _iota((128, 128), 1) % 16).astype(f32)
    r8 = (_iota((8, 128), 0) == _iota((8, 128), 1) // 16).astype(f32)
    m3 = (_iota((64, 128), 0) % 16 == _iota((64, 128), 1) % 16).astype(f32)
    k4 = (_iota((4, 64), 1) // 16 == _iota((4, 64), 0)).astype(f32)
    k32 = (_iota((512, 32), 0) // 16 == _iota((512, 32), 1)).astype(f32)
    e16 = (_iota((128, 16), 0) % 16 == _iota((128, 16), 1)).astype(f32)
    e4 = (_iota((4, 32), 1) // 8 == _iota((4, 32), 0)).astype(f32)
    e1 = (_iota((512, 4), 0) // 128 == _iota((512, 4), 1)).astype(f32)
    gsel = (_iota((512, 16), 0) % 16 == _iota((512, 16), 1)).astype(f32)
    fold = (_iota((512, 128), 0) % 128 == _iota((512, 128), 1)).astype(f32)
    m1 = (_iota((128, 512), 0) % 16 == _iota((128, 512), 1) % 16).astype(f32)
    cj = (_iota((32, 32), 0) // 8 == _iota((32, 32), 1) // 8).astype(f32)

    def mm(a, b):
        return jnp.dot(a, b, preferred_element_type=f32)

    bmax = bmax_ref[...]
    z = z_ref[...]
    logz = jnp.log(z)

    ar = arow_ref[...]
    am = jnp.max(ar, axis=1, keepdims=True)
    ae = jnp.exp(ar - am)
    asum = jnp.sum(ae, axis=1, keepdims=True)
    sm_ar = ae / asum
    log_ar = (ar - am) - jnp.log(asum)

    pr = pirow_ref[...]
    pm = jnp.max(pr, axis=1, keepdims=True)
    pe = jnp.exp(pr - pm)
    log_pr = (pr - pm) - jnp.log(jnp.sum(pe, axis=1, keepdims=True))

    sp = sp_ref[...]
    spm = jnp.max(sp, axis=0, keepdims=True)
    spe = jnp.exp(sp - spm)
    sps = jnp.sum(spe, axis=0, keepdims=True)
    sm_sp = spe / sps
    log_sp = (sp - spm) - jnp.log(sps)

    spcol = jnp.sum(mm(e1, sm_sp) * gsel, axis=1, keepdims=True)
    afrow = sm_ar * spcol
    w = mm(afrow, r8) * m2
    wd = _tr(w)

    gn = gn_ref[...].reshape(_NPAD, _CG)

    betas = {6: beta6_ref[...]}
    tbetas = {}
    for k in range(5, -1, -1):
        n = 4 ** k
        ch = betas[k + 1].reshape(n, 512)
        tb = mm(ch, w)
        bfac = jnp.exp(gn[_OFF[k]:_OFF[k] + n, :] - bmax) / z
        blk = tb * bfac
        betas[k] = blk / mm(blk, gsum)
        tbetas[k] = tb

    eps = {0: betas[0]}
    s_mat = jnp.zeros((128, 512), f32)
    eg6 = None
    for k in range(6):
        n = 4 ** k
        rk = eps[k] / tbetas[k]
        qk = mm(rk, wd)
        ch = betas[k + 1].reshape(n, 512)
        eg = ch * qk
        eps[k + 1] = eg.reshape(4 * n, _CG)
        if k == 5:
            eg6 = eg
        s_mat = s_mat + lax.dot_general(
            rk, ch, (((0,), (0,)), ((), ())), preferred_element_type=f32)

    t2 = mm(s_mat * m1, k32)
    af2 = mm(wd, k32)
    tfull = t2 * af2
    log_a2 = mm(_tr(mm(log_ar, r8) * m2), k32)
    alg = mm(gsum, tfull * log_a2)
    alpg = mm(alg, cj)
    log_sp2 = mm(mm(e16, _tr(log_sp)), e4)
    spl = tfull * log_sp2

    blh = jnp.zeros((1, 128), f32)
    for k in range(7):
        n = 4 ** k
        gsl = (gn[_OFF[k]:_OFF[k] + n, :] - bmax) - logz
        blh = blh + jnp.sum(eps[k] * gsl, axis=0, keepdims=True)
    bvec = mm(blh, gsum)

    lp4 = mm(k4, mm(log_pr, r8) * m3)
    piv = jnp.sum(eg6 * lp4.reshape(1, 512), axis=0, keepdims=True)
    pivec = mm(mm(piv, fold), gsum)

    bp_col = _tr(bvec + pivec)
    o_ref[...] = -(alpg + spl) - bp_col


def kernel(labels, pos, leaves, edges, A, B, Pi, SP):
    f32 = jnp.float32
    bt = B.astype(f32).transpose(1, 0, 2).reshape(_M, _CG)
    arow = A.astype(f32).transpose(2, 1, 3, 0).reshape(512, 8)
    pirow = Pi.astype(f32).transpose(1, 2, 0).reshape(64, 8)
    sp = SP.astype(f32)

    idx = jnp.concatenate(
        [labels.astype(jnp.int32),
         jnp.zeros((_NPAD - _NN,), jnp.int32)]).reshape(64, 88)

    gn3 = pl.kernel(
        _sc_gather_body,
        out_type=jax.ShapeDtypeStruct((64, 88, _CG), f32),
        scratch_types=[
            pltpu.VMEM((2, 88), jnp.int32),
            pltpu.VMEM((2, 88, _CG), f32),
            pltpu.SemaphoreType.DMA,
        ],
        mesh=plsc.VectorSubcoreMesh(core_axis_name="c", subcore_axis_name="s"),
    )(bt, idx)

    bmax, z, beta6 = pl.pallas_call(
        _tc_stats_body,
        out_shape=(jax.ShapeDtypeStruct((1, _CG), f32),
                   jax.ShapeDtypeStruct((1, _CG), f32),
                   jax.ShapeDtypeStruct((_NLV, _CG), f32)),
    )(bt, pirow)

    out2 = pl.pallas_call(
        _tc_body,
        out_shape=jax.ShapeDtypeStruct((128, 32), f32),
    )(gn3, bmax, z, beta6, arow, pirow, sp)

    ll = out2.reshape(_C, _G, _L, _C).transpose(0, 3, 2, 1)
    return ll[None, None]

# --- scband reference (transcript-rebuilt; emitter-appended) ---
"""Pipeline reference for scband-bottom-up-htmm-12515534701385 (READ-ONLY COPY).

The authoritative reference and input builder live on the scoring server;
editing this copy changes nothing except your own understanding.
"""

import jax, jax.numpy as jnp
import numpy as np

C, L, NGEN, M, DEPTH = 8, 4, 16, 8192, 6
N_NODES = (4 ** (DEPTH + 1) - 1) // 3  # 5461 nodes, complete 4-ary tree of depth 6
N_INTERNAL = (4 ** DEPTH - 1) // 3     # 1365 internal nodes
LEVEL_OFFS = [4 * ((4 ** k - 1) // 3) for k in range(DEPTH)] + [4 * N_INTERNAL]


def setup_inputs(seed: int = 0) -> dict:
    key = jax.random.key(seed)
    k1, k2, k3, k4, k5 = jax.random.split(key, 5)
    parents = np.repeat(np.arange(N_INTERNAL), 4)
    children = np.arange(1, N_NODES)
    edges = jnp.asarray(np.stack([parents, children], axis=1), dtype=jnp.int32)
    labels = jax.random.randint(k1, (N_NODES,), 0, M, dtype=jnp.int32)
    pos = jnp.concatenate([jnp.zeros((1,), jnp.int32),
                           ((jnp.arange(1, N_NODES) - 1) % L).astype(jnp.int32)])
    leaves = jnp.arange(N_INTERNAL, N_NODES, dtype=jnp.int32)
    A = jax.random.normal(k2, (C, C, L, NGEN), jnp.float32)
    B = jax.random.normal(k3, (C, M, NGEN), jnp.float32)
    Pi = jax.random.normal(k4, (C, L, NGEN), jnp.float32)
    SP = jax.random.normal(k5, (L, NGEN), jnp.float32)
    return {"labels": labels, "pos": pos, "leaves": leaves, "edges": edges,
            "A": A, "B": B, "Pi": Pi, "SP": SP}


def _forward(A, B, Pi, SP, labels, pos, leaves, edges):
    # softmax reparameterization (same axes as torch per-slice softmaxes)
    sm_A = jax.nn.softmax(A, axis=0)
    sm_B = jax.nn.softmax(B, axis=1)
    sm_Pi = jax.nn.softmax(Pi, axis=0)
    sm_SP = jax.nn.softmax(SP, axis=0)
    levels = [edges[LEVEL_OFFS[i]:LEVEL_OFFS[i + 1]] for i in range(DEPTH)]
    dim = labels.shape[0]

    # ---- reversed upward ----
    beta = jnp.zeros((dim, C, NGEN), jnp.float32)
    t_beta = jnp.zeros((dim, C, NGEN), jnp.float32)
    pos_leaves = pos[leaves]
    Pi_leaves = sm_Pi[:, pos_leaves]          # [C, n_leaves, n_gen]
    B_leaves = sm_B[:, leaves]                # [C, n_leaves, n_gen] (leaf indices, as in original)
    beta_leaves = Pi_leaves * B_leaves
    beta_leaves = beta_leaves / beta_leaves.sum(axis=0, keepdims=True)
    beta = beta.at[leaves].set(jnp.transpose(beta_leaves, (1, 0, 2)))
    for l in reversed(levels):
        pa = l[:, 0]
        ch = l[:, 1]
        pos_ch = pos[ch]
        SP_ch = sm_SP[pos_ch][:, None, None, :]                  # [k,1,1,n_gen]
        A_ch = jnp.transpose(sm_A[:, :, pos_ch], (2, 0, 1, 3))   # [k,C,C,n_gen]
        beta_ch = beta[ch][:, None, :, :]                        # [k,1,C,n_gen]
        t_beta_l_ch = (SP_ch * A_ch * beta_ch).sum(2)            # [k,C,n_gen]
        n_u = l.shape[0] // L
        u_idx = pa.reshape(n_u, L)[:, 0]                         # unique parents (children grouped per parent)
        t_beta_u = t_beta_l_ch.reshape(n_u, L, C, NGEN).sum(1)   # per-parent sum over children
        t_beta = t_beta.at[u_idx].set(t_beta_u)
        B_l = jnp.transpose(sm_B[:, labels[u_idx]], (1, 0, 2))
        beta_l = t_beta_u * B_l
        beta_l = beta_l / beta_l.sum(axis=1, keepdims=True)
        beta = beta.at[u_idx].set(beta_l)

    # ---- reversed downward ----
    eps = jnp.zeros((dim, C, NGEN), jnp.float32)
    t_eps = jnp.zeros((dim, C, C, L, NGEN), jnp.float32)
    root = levels[0][0, 0]
    eps = eps.at[root].set(beta[root])
    A_full = (sm_SP[:L][None, None, :, :] * sm_A)[None]          # [1,C,C,L,n_gen] (n_children == L, complete tree)
    for l in levels:
        n_u = l.shape[0] // L
        pa = l[:, 0].reshape(n_u, L)[:, 0]
        ch = l[:, 1]
        eps_pa = eps[pa][:, :, None, None, :]                    # [n_u,C,1,1,n_gen]
        beta_ch = jnp.transpose(beta[ch].reshape(n_u, L, C, NGEN), (0, 2, 1, 3))[:, None]  # [n_u,1,C,L,n_gen]
        numerator = eps_pa * A_full * beta_ch                    # [n_u,C,C,L,n_gen]
        t_beta_pa = t_beta[pa][:, :, None, None, :]
        t_eps_u = numerator / t_beta_pa
        t_eps = t_eps.at[pa].set(t_eps_u)
        eps_ch = jnp.transpose(t_eps_u.sum(1), (0, 2, 1, 3)).reshape(n_u * L, C, NGEN)
        eps = eps.at[ch].set(eps_ch)

    # ---- log likelihood ----
    A_lh = (t_eps * jnp.log(sm_A)[None]).sum(axis=(0, 1, 2))                     # [L,n_gen]
    B_nodes = jnp.transpose(sm_B[:, labels], (1, 0, 2))
    B_lh = (eps * jnp.log(B_nodes)).sum(axis=(0, 1))                             # [n_gen]
    Pi_lh = (eps[leaves] * jnp.transpose(jnp.log(sm_Pi[:, pos[leaves]]), (1, 0, 2))).sum(axis=(0, 1))
    SP_lh = (t_eps * jnp.log(sm_SP)[None, None, None]).sum(axis=0)               # [C,C,L,n_gen]
    ll = A_lh + B_lh + Pi_lh + SP_lh                                             # broadcasts to [C,C,L,n_gen]
    return jnp.stack([jnp.stack([-ll])])                                         # [1,1,C,C,L,n_gen]


def reference(labels, pos, leaves, edges, A, B, Pi, SP):
    return _forward(A, B, Pi, SP, labels, pos, leaves, edges)

if __name__ == "__main__":
    import jax
    _d = setup_inputs()
    print(jax.jit(kernel)(*tuple(_d.values())))

</pallas_src>

<mosaic_0001>
#map = affine_map<(d0, d1) -> (0, 0)>
#map1 = affine_map<(d0, d1) -> (0, 0, 0)>
module attributes {stable_mosaic.version = 14 : i64} {
  func.func @_sc_gather_body(%arg0: i32, %arg1: i32, %arg2: memref<8192x128xf32, #tpu.memory_space<hbm>>, %arg3: memref<64x88xi32, #tpu.memory_space<hbm>>, %arg4: memref<64x88x128xf32, #tpu.memory_space<hbm>>, %arg5: memref<2x88xi32, #tpu.memory_space<vmem>>, %arg6: memref<2x88x128xf32, #tpu.memory_space<vmem>>, %arg7: memref<!tpu.dma_semaphore, #tpu.memory_space<semaphore_mem>>) attributes {dimension_semantics = [#tpu.dimension_semantics<core_parallel>, #tpu.dimension_semantics<subcore_parallel>], iteration_bounds = array<i64: 2, 16>, scalar_prefetch = 0 : i64, scratch_operands = 3 : i64, tpu.core_type = #tpu.core_type<sc_vector_subcore>, window_params = [{transform_indices = #map}, {transform_indices = #map}, {transform_indices = #map1}]} {
    %mul3A = arith.constant 2 : i32
    %mul3A_0 = arith.muli %arg1, %mul3A : i32
    %add3A = arith.addi %mul3A_0, %arg0 : i32
    %mul3A_1 = arith.constant 2 : i32
    %mul3A_2 = arith.muli %add3A, %mul3A_1 : i32
    "tpu.region"() ({
      %run_scoped3A = tpu.sem_alloc : memref<!tpu.dma_semaphore, #tpu.memory_space<semaphore_mem>>
      %dma_start3A_49 = arith.constant 0 : i32
      %dma_start3A_50 = tpu.memref_slice %arg3[%mul3A_2, %dma_start3A_49] : memref<64x88xi32, #tpu.memory_space<hbm>> -> memref<2x88xi32, #tpu.memory_space<hbm>>
      %dma_start3A_51 = arith.constant 0 : i32
      %dma_start3A_52 = tpu.memref_slice %arg3[%mul3A_2, %dma_start3A_51] : memref<64x88xi32, #tpu.memory_space<hbm>> -> memref<2x88xi32, #tpu.memory_space<hbm>>
      tpu.enqueue_dma source(%dma_start3A_52 : memref<2x88xi32, #tpu.memory_space<hbm>>) target(%arg5 : memref<2x88xi32, #tpu.memory_space<vmem>>) target_semaphore(%run_scoped3A : memref<!tpu.dma_semaphore, #tpu.memory_space<semaphore_mem>>)
      %dma_wait3A_53 = arith.constant 0 : i32
      %dma_wait3A_54 = tpu.memref_slice %arg3[%mul3A_2, %dma_wait3A_53] : memref<64x88xi32, #tpu.memory_space<hbm>> -> memref<2x88xi32, #tpu.memory_space<hbm>>
      %dma_wait3A_55 = arith.constant 0 : i32
      %dma_wait3A_56 = tpu.memref_slice %arg3[%mul3A_2, %dma_wait3A_55] : memref<64x88xi32, #tpu.memory_space<hbm>> -> memref<2x88xi32, #tpu.memory_space<hbm>>
      tpu.wait_dma2 semaphore(%run_scoped3A : memref<!tpu.dma_semaphore, #tpu.memory_space<semaphore_mem>>) src(%dma_wait3A_56 : memref<2x88xi32, #tpu.memory_space<hbm>>) dst(%arg5 : memref<2x88xi32, #tpu.memory_space<vmem>>)
      tpu.yield
    }) : () -> ()
    %dma_start3A = arith.constant 0 : i32
    %dma_start3A_3 = arith.constant 0 : i32
    %dma_start3A_4 = arith.constant 0 : i32
    %dma_start3A_5 = arith.constant 0 : i32
    %dma_start3A_6 = tpu.memref_slice %arg6[%dma_start3A_3, %dma_start3A_4, %dma_start3A_5] : memref<2x88x128xf32, #tpu.memory_space<vmem>> -> memref<1x88x128xf32, #tpu.memory_space<vmem>>
    %dma_start3A_7 = tpu.memref_squeeze %dma_start3A_6 : memref<1x88x128xf32, #tpu.memory_space<vmem>> -> memref<88x128xf32, #tpu.memory_space<vmem>>
    %dma_start3A_8 = arith.constant 0 : i32
    %dma_start3A_9 = tpu.memref_slice %arg5[%dma_start3A, %dma_start3A_8] : memref<2x88xi32, #tpu.memory_space<vmem>> -> memref<1x88xi32, #tpu.memory_space<vmem>>
    %dma_start3A_10 = tpu.memref_squeeze %dma_start3A_9 : memref<1x88xi32, #tpu.memory_space<vmem>> -> memref<88xi32, #tpu.memory_space<vmem>>
    %dma_start3A_11 = arith.constant 0 : i32
    %dma_start3A_12 = arith.constant 0 : i32
    %dma_start3A_13 = tpu.memref_slice %arg2[%dma_start3A_11, %dma_start3A_12] : memref<8192x128xf32, #tpu.memory_space<hbm>> -> memref<8192x128xf32, #tpu.memory_space<hbm>>
    tpu.enqueue_indirect_dma source(%dma_start3A_13 : memref<8192x128xf32, #tpu.memory_space<hbm>>) target(%dma_start3A_7 : memref<88x128xf32, #tpu.memory_space<vmem>>) offsets(%dma_start3A_10 : memref<88xi32, #tpu.memory_space<vmem>>) semaphore(%arg7 : memref<!tpu.dma_semaphore, #tpu.memory_space<semaphore_mem>>)
    %dma_start3A_14 = arith.constant 1 : i32
    %dma_start3A_15 = arith.constant 1 : i32
    %dma_start3A_16 = arith.constant 0 : i32
    %dma_start3A_17 = arith.constant 0 : i32
    %dma_start3A_18 = tpu.memref_slice %arg6[%dma_start3A_15, %dma_start3A_16, %dma_start3A_17] : memref<2x88x128xf32, #tpu.memory_space<vmem>> -> memref<1x88x128xf32, #tpu.memory_space<vmem>>
    %dma_start3A_19 = tpu.memref_squeeze %dma_start3A_18 : memref<1x88x128xf32, #tpu.memory_space<vmem>> -> memref<88x128xf32, #tpu.memory_space<vmem>>
    %dma_start3A_20 = arith.constant 0 : i32
    %dma_start3A_21 = tpu.memref_slice %arg5[%dma_start3A_14, %dma_start3A_20] : memref<2x88xi32, #tpu.memory_space<vmem>> -> memref<1x88xi32, #tpu.memory_space<vmem>>
    %dma_start3A_22 = tpu.memref_squeeze %dma_start3A_21 : memref<1x88xi32, #tpu.memory_space<vmem>> -> memref<88xi32, #tpu.memory_space<vmem>>
    %dma_start3A_23 = arith.constant 0 : i32
    %dma_start3A_24 = arith.constant 0 : i32
    %dma_start3A_25 = tpu.memref_slice %arg2[%dma_start3A_23, %dma_start3A_24] : memref<8192x128xf32, #tpu.memory_space<hbm>> -> memref<8192x128xf32, #tpu.memory_space<hbm>>
    tpu.enqueue_indirect_dma source(%dma_start3A_25 : memref<8192x128xf32, #tpu.memory_space<hbm>>) target(%dma_start3A_19 : memref<88x128xf32, #tpu.memory_space<vmem>>) offsets(%dma_start3A_22 : memref<88xi32, #tpu.memory_space<vmem>>) semaphore(%arg7 : memref<!tpu.dma_semaphore, #tpu.memory_space<semaphore_mem>>)
    %dma_wait3A = arith.constant 0 : i32
    %dma_wait3A_26 = arith.constant 0 : i32
    %dma_wait3A_27 = arith.constant 0 : i32
    %dma_wait3A_28 = arith.constant 0 : i32
    %dma_wait3A_29 = tpu.memref_slice %arg6[%dma_wait3A_26, %dma_wait3A_27, %dma_wait3A_28] : memref<2x88x128xf32, #tpu.memory_space<vmem>> -> memref<1x88x128xf32, #tpu.memory_space<vmem>>
    %dma_wait3A_30 = tpu.memref_squeeze %dma_wait3A_29 : memref<1x88x128xf32, #tpu.memory_space<vmem>> -> memref<88x128xf32, #tpu.memory_space<vmem>>
    %dma_wait3A_31 = arith.constant 0 : i32
    %dma_wait3A_32 = tpu.memref_slice %arg5[%dma_wait3A, %dma_wait3A_31] : memref<2x88xi32, #tpu.memory_space<vmem>> -> memref<1x88xi32, #tpu.memory_space<vmem>>
    %dma_wait3A_33 = tpu.memref_squeeze %dma_wait3A_32 : memref<1x88xi32, #tpu.memory_space<vmem>> -> memref<88xi32, #tpu.memory_space<vmem>>
    %dma_wait3A_34 = arith.constant 0 : i32
    %dma_wait3A_35 = arith.constant 0 : i32
    %dma_wait3A_36 = tpu.memref_slice %arg2[%dma_wait3A_34, %dma_wait3A_35] : memref<8192x128xf32, #tpu.memory_space<hbm>> -> memref<8192x128xf32, #tpu.memory_space<hbm>>
    tpu.wait_indirect_dma semaphore(%arg7 : memref<!tpu.dma_semaphore, #tpu.memory_space<semaphore_mem>>) src(%dma_wait3A_36 : memref<8192x128xf32, #tpu.memory_space<hbm>>) dst(%dma_wait3A_30 : memref<88x128xf32, #tpu.memory_space<vmem>>)
    %dma_wait3A_37 = arith.constant 1 : i32
    %dma_wait3A_38 = arith.constant 1 : i32
    %dma_wait3A_39 = arith.constant 0 : i32
    %dma_wait3A_40 = arith.constant 0 : i32
    %dma_wait3A_41 = tpu.memref_slice %arg6[%dma_wait3A_38, %dma_wait3A_39, %dma_wait3A_40] : memref<2x88x128xf32, #tpu.memory_space<vmem>> -> memref<1x88x128xf32, #tpu.memory_space<vmem>>
    %dma_wait3A_42 = tpu.memref_squeeze %dma_wait3A_41 : memref<1x88x128xf32, #tpu.memory_space<vmem>> -> memref<88x128xf32, #tpu.memory_space<vmem>>
    %dma_wait3A_43 = arith.constant 0 : i32
    %dma_wait3A_44 = tpu.memref_slice %arg5[%dma_wait3A_37, %dma_wait3A_43] : memref<2x88xi32, #tpu.memory_space<vmem>> -> memref<1x88xi32, #tpu.memory_space<vmem>>
    %dma_wait3A_45 = tpu.memref_squeeze %dma_wait3A_44 : memref<1x88xi32, #tpu.memory_space<vmem>> -> memref<88xi32, #tpu.memory_space<vmem>>
    %dma_wait3A_46 = arith.constant 0 : i32
    %dma_wait3A_47 = arith.constant 0 : i32
    %dma_wait3A_48 = tpu.memref_slice %arg2[%dma_wait3A_46, %dma_wait3A_47] : memref<8192x128xf32, #tpu.memory_space<hbm>> -> memref<8192x128xf32, #tpu.memory_space<hbm>>
    tpu.wait_indirect_dma semaphore(%arg7 : memref<!tpu.dma_semaphore, #tpu.memory_space<semaphore_mem>>) src(%dma_wait3A_48 : memref<8192x128xf32, #tpu.memory_space<hbm>>) dst(%dma_wait3A_42 : memref<88x128xf32, #tpu.memory_space<vmem>>)
    "tpu.region"() ({
      %run_scoped3A = tpu.sem_alloc : memref<!tpu.dma_semaphore, #tpu.memory_space<semaphore_mem>>
      %dma_start3A_49 = arith.constant 0 : i32
      %dma_start3A_50 = arith.constant 0 : i32
      %dma_start3A_51 = tpu.memref_slice %arg4[%mul3A_2, %dma_start3A_49, %dma_start3A_50] : memref<64x88x128xf32, #tpu.memory_space<hbm>> -> memref<2x88x128xf32, #tpu.memory_space<hbm>>
      %dma_start3A_52 = arith.constant 0 : i32
      %dma_start3A_53 = arith.constant 0 : i32
      %dma_start3A_54 = tpu.memref_slice %arg4[%mul3A_2, %dma_start3A_52, %dma_start3A_53] : memref<64x88x128xf32, #tpu.memory_space<hbm>> -> memref<2x88x128xf32, #tpu.memory_space<hbm>>
      tpu.enqueue_dma source(%arg6 : memref<2x88x128xf32, #tpu.memory_space<vmem>>) target(%dma_start3A_54 : memref<2x88x128xf32, #tpu.memory_space<hbm>>) target_semaphore(%run_scoped3A : memref<!tpu.dma_semaphore, #tpu.memory_space<semaphore_mem>>)
      %dma_wait3A_55 = arith.constant 0 : i32
      %dma_wait3A_56 = arith.constant 0 : i32
      %dma_wait3A_57 = tpu.memref_slice %arg4[%mul3A_2, %dma_wait3A_55, %dma_wait3A_56] : memref<64x88x128xf32, #tpu.memory_space<hbm>> -> memref<2x88x128xf32, #tpu.memory_space<hbm>>
      %dma_wait3A_58 = arith.constant 0 : i32
      %dma_wait3A_59 = arith.constant 0 : i32
      %dma_wait3A_60 = tpu.memref_slice %arg4[%mul3A_2, %dma_wait3A_58, %dma_wait3A_59] : memref<64x88x128xf32, #tpu.memory_space<hbm>> -> memref<2x88x128xf32, #tpu.memory_space<hbm>>
      tpu.wait_dma2 semaphore(%run_scoped3A : memref<!tpu.dma_semaphore, #tpu.memory_space<semaphore_mem>>) src(%arg6 : memref<2x88x128xf32, #tpu.memory_space<vmem>>) dst(%dma_wait3A_60 : memref<2x88x128xf32, #tpu.memory_space<hbm>>)
      tpu.yield
    }) : () -> ()
    return
  }
}

module attributes {stable_mosaic.version = 14 : i64} {
  func.func @_tc_stats_body(%arg0: memref<8192x128xf32, #tpu.memory_space<vmem>>, %arg1: memref<64x8xf32, #tpu.memory_space<vmem>>, %arg2: memref<1x128xf32, #tpu.memory_space<vmem>>, %arg3: memref<1x128xf32, #tpu.memory_space<vmem>>, %arg4: memref<4096x128xf32, #tpu.memory_space<vmem>>) attributes {dimension_semantics = [], scalar_prefetch = 0 : i64, scratch_operands = 0 : i64, tpu.core_type = #tpu.core_type<tc>} {
    %iota3A = tpu.iota {dimensions = array<i32: 0>} : vector<128x128xi32>
    %jit3A = arith.constant 16 : i32
    %eq3A = arith.constant 0 : i32
    %eq3A_0 = arith.cmpi eq, %jit3A, %eq3A : i32
    %jit3A_1 = arith.constant 1 : i32
    %select_n3A = arith.select %eq3A_0, %jit3A_1, %jit3A : i32
    %rem3A = vector.broadcast %select_n3A : i32 to vector<128x128xi32>
    %rem3A_2 = arith.remsi %iota3A, %rem3A : vector<128x128xi32>
    %ne3A = arith.constant 0 : i32
    %ne3A_3 = vector.broadcast %ne3A : i32 to vector<128x128xi32>
    %ne3A_4 = arith.cmpi ne, %rem3A_2, %ne3A_3 : vector<128x128xi32>
    %lt3A = arith.constant 0 : i32
    %lt3A_5 = vector.broadcast %lt3A : i32 to vector<128x128xi32>
    %lt3A_6 = arith.cmpi slt, %rem3A_2, %lt3A_5 : vector<128x128xi32>
    %lt3A_7 = arith.constant 0 : i32
    %lt3A_8 = arith.cmpi slt, %select_n3A, %lt3A_7 : i32
    %ne3A_9 = vector.broadcast %lt3A_8 : i1 to vector<128x128xi1>
    %ne3A_10 = vector.broadcast %ne3A_9 : vector<128x128xi1> to vector<128x128xi1>
    %ne3A_11 = arith.xori %lt3A_6, %ne3A_10 : vector<128x128xi1>
    %and3A = arith.andi %ne3A_11, %ne3A_4 : vector<128x128xi1>
    %add3A = vector.broadcast %select_n3A : i32 to vector<128x128xi32>
    %add3A_12 = arith.addi %rem3A_2, %add3A : vector<128x128xi32>
    %select_n3A_13 = arith.select %and3A, %add3A_12, %rem3A_2 : vector<128x128xi1>, vector<128x128xi32>
    %iota3A_14 = tpu.iota {dimensions = array<i32: 1>} : vector<128x128xi32>
    %jit3A_15 = arith.constant 16 : i32
    %eq3A_16 = arith.constant 0 : i32
    %eq3A_17 = arith.cmpi eq, %jit3A_15, %eq3A_16 : i32
    %jit3A_18 = arith.constant 1 : i32
    %select_n3A_19 = arith.select %eq3A_17, %jit3A_18, %jit3A_15 : i32
    %rem3A_20 = vector.broadcast %select_n3A_19 : i32 to vector<128x128xi32>
    %rem3A_21 = arith.remsi %iota3A_14, %rem3A_20 : vector<128x128xi32>
    %ne3A_22 = arith.constant 0 : i32
    %ne3A_23 = vector.broadcast %ne3A_22 : i32 to vector<128x128xi32>
    %ne3A_24 = arith.cmpi ne, %rem3A_21, %ne3A_23 : vector<128x128xi32>
    %lt3A_25 = arith.constant 0 : i32
    %lt3A_26 = vector.broadcast %lt3A_25 : i32 to vector<128x128xi32>
    %lt3A_27 = arith.cmpi slt, %rem3A_21, %lt3A_26 : vector<128x128xi32>
    %lt3A_28 = arith.constant 0 : i32
    %lt3A_29 = arith.cmpi slt, %select_n3A_19, %lt3A_28 : i32
    %ne3A_30 = vector.broadcast %lt3A_29 : i1 to vector<128x128xi1>
    %ne3A_31 = vector.broadcast %ne3A_30 : vector<128x128xi1> to vector<128x128xi1>
    %ne3A_32 = arith.xori %lt3A_27, %ne3A_31 : vector<128x128xi1>
    %and3A_33 = arith.andi %ne3A_32, %ne3A_24 : vector<128x128xi1>
    %add3A_34 = vector.broadcast %select_n3A_19 : i32 to vector<128x128xi32>
    %add3A_35 = arith.addi %rem3A_21, %add3A_34 : vector<128x128xi32>
    %select_n3A_36 = arith.select %and3A_33, %add3A_35, %rem3A_21 : vector<128x128xi1>, vector<128x128xi32>
    %eq3A_37 = arith.cmpi eq, %select_n3A_13, %select_n3A_36 : vector<128x128xi32>
    %convert_element_type3A = arith.extui %eq3A_37 : vector<128x128xi1> to vector<128x128xi32>
    %convert_element_type3A_38 = arith.sitofp %convert_element_type3A : vector<128x128xi32> to vector<128x128xf32>
    %iota3A_39 = tpu.iota {dimensions = array<i32: 0>} : vector<8x128xi32>
    %iota3A_40 = tpu.iota {dimensions = array<i32: 1>} : vector<8x128xi32>
    %jit3A_41 = arith.constant 16 : i32
    %div3A = vector.broadcast %jit3A_41 : i32 to vector<8x128xi32>
    %div3A_42 = arith.divsi %iota3A_40, %div3A : vector<8x128xi32>
    %sign3A = arith.constant 0 : i32
    %sign3A_43 = vector.broadcast %sign3A : i32 to vector<8x128xi32>
    %sign3A_44 = arith.cmpi sgt, %iota3A_40, %sign3A_43 : vector<8x128xi32>
    %sign3A_45 = arith.extui %sign3A_44 : vector<8x128xi1> to vector<8x128xi32>
    %sign3A_46 = arith.constant 0 : i32
    %sign3A_47 = vector.broadcast %sign3A_46 : i32 to vector<8x128xi32>
    %sign3A_48 = arith.cmpi slt, %iota3A_40, %sign3A_47 : vector<8x128xi32>
    %sign3A_49 = arith.extui %sign3A_48 : vector<8x128xi1> to vector<8x128xi32>
    %sign3A_50 = arith.subi %sign3A_45, %sign3A_49 : vector<8x128xi32>
    %sign3A_51 = arith.constant 0 : i32
    %sign3A_52 = arith.cmpi sgt, %jit3A_41, %sign3A_51 : i32
    %sign3A_53 = arith.extui %sign3A_52 : i1 to i32
    %sign3A_54 = arith.constant 0 : i32
    %sign3A_55 = arith.cmpi slt, %jit3A_41, %sign3A_54 : i32
    %sign3A_56 = arith.extui %sign3A_55 : i1 to i32
    %sign3A_57 = arith.subi %sign3A_53, %sign3A_56 : i32
    %ne3A_58 = vector.broadcast %sign3A_57 : i32 to vector<8x128xi32>
    %ne3A_59 = arith.cmpi ne, %sign3A_50, %ne3A_58 : vector<8x128xi32>
    %rem3A_60 = vector.broadcast %jit3A_41 : i32 to vector<8x128xi32>
    %rem3A_61 = arith.remsi %iota3A_40, %rem3A_60 : vector<8x128xi32>
    %ne3A_62 = arith.constant 0 : i32
    %ne3A_63 = vector.broadcast %ne3A_62 : i32 to vector<8x128xi32>
    %ne3A_64 = arith.cmpi ne, %rem3A_61, %ne3A_63 : vector<8x128xi32>
    %and3A_65 = arith.andi %ne3A_59, %ne3A_64 : vector<8x128xi1>
    %sub3A = arith.constant 1 : i32
    %sub3A_66 = vector.broadcast %sub3A : i32 to vector<8x128xi32>
    %sub3A_67 = arith.subi %div3A_42, %sub3A_66 : vector<8x128xi32>
    %select_n3A_68 = arith.select %and3A_65, %sub3A_67, %div3A_42 : vector<8x128xi1>, vector<8x128xi32>
    %eq3A_69 = arith.cmpi eq, %iota3A_39, %select_n3A_68 : vector<8x128xi32>
    %convert_element_type3A_70 = arith.extui %eq3A_69 : vector<8x128xi1> to vector<8x128xi32>
    %convert_element_type3A_71 = arith.sitofp %convert_element_type3A_70 : vector<8x128xi32> to vector<8x128xf32>
    %iota3A_72 = tpu.iota {dimensions = array<i32: 0>} : vector<64x128xi32>
    %jit3A_73 = arith.constant 16 : i32
    %eq3A_74 = arith.constant 0 : i32
    %eq3A_75 = arith.cmpi eq, %jit3A_73, %eq3A_74 : i32
    %jit3A_76 = arith.constant 1 : i32
    %select_n3A_77 = arith.select %eq3A_75, %jit3A_76, %jit3A_73 : i32
    %rem3A_78 = vector.broadcast %select_n3A_77 : i32 to vector<64x128xi32>
    %rem3A_79 = arith.remsi %iota3A_72, %rem3A_78 : vector<64x128xi32>
    %ne3A_80 = arith.constant 0 : i32
    %ne3A_81 = vector.broadcast %ne3A_80 : i32 to vector<64x128xi32>
    %ne3A_82 = arith.cmpi ne, %rem3A_79, %ne3A_81 : vector<64x128xi32>
    %lt3A_83 = arith.constant 0 : i32
    %lt3A_84 = vector.broadcast %lt3A_83 : i32 to vector<64x128xi32>
    %lt3A_85 = arith.cmpi slt, %rem3A_79, %lt3A_84 : vector<64x128xi32>
    %lt3A_86 = arith.constant 0 : i32
    %lt3A_87 = arith.cmpi slt, %select_n3A_77, %lt3A_86 : i32
    %ne3A_88 = vector.broadcast %lt3A_87 : i1 to vector<64x128xi1>
    %ne3A_89 = vector.broadcast %ne3A_88 : vector<64x128xi1> to vector<64x128xi1>
    %ne3A_90 = arith.xori %lt3A_85, %ne3A_89 : vector<64x128xi1>
    %and3A_91 = arith.andi %ne3A_90, %ne3A_82 : vector<64x128xi1>
    %add3A_92 = vector.broadcast %select_n3A_77 : i32 to vector<64x128xi32>
    %add3A_93 = arith.addi %rem3A_79, %add3A_92 : vector<64x128xi32>
    %select_n3A_94 = arith.select %and3A_91, %add3A_93, %rem3A_79 : vector<64x128xi1>, vector<64x128xi32>
    %iota3A_95 = tpu.iota {dimensions = array<i32: 1>} : vector<64x128xi32>
    %jit3A_96 = arith.constant 16 : i32
    %eq3A_97 = arith.constant 0 : i32
    %eq3A_98 = arith.cmpi eq, %jit3A_96, %eq3A_97 : i32
    %jit3A_99 = arith.constant 1 : i32
    %select_n3A_100 = arith.select %eq3A_98, %jit3A_99, %jit3A_96 : i32
    %rem3A_101 = vector.broadcast %select_n3A_100 : i32 to vector<64x128xi32>
    %rem3A_102 = arith.remsi %iota3A_95, %rem3A_101 : vector<64x128xi32>
    %ne3A_103 = arith.constant 0 : i32
    %ne3A_104 = vector.broadcast %ne3A_103 : i32 to vector<64x128xi32>
    %ne3A_105 = arith.cmpi ne, %rem3A_102, %ne3A_104 : vector<64x128xi32>
    %lt3A_106 = arith.constant 0 : i32
    %lt3A_107 = vector.broadcast %lt3A_106 : i32 to vector<64x128xi32>
    %lt3A_108 = arith.cmpi slt, %rem3A_102, %lt3A_107 : vector<64x128xi32>
    %lt3A_109 = arith.constant 0 : i32
    %lt3A_110 = arith.cmpi slt, %select_n3A_100, %lt3A_109 : i32
    %ne3A_111 = vector.broadcast %lt3A_110 : i1 to vector<64x128xi1>
    %ne3A_112 = vector.broadcast %ne3A_111 : vector<64x128xi1> to vector<64x128xi1>
    %ne3A_113 = arith.xori %lt3A_108, %ne3A_112 : vector<64x128xi1>
    %and3A_114 = arith.andi %ne3A_113, %ne3A_105 : vector<64x128xi1>
    %add3A_115 = vector.broadcast %select_n3A_100 : i32 to vector<64x128xi32>
    %add3A_116 = arith.addi %rem3A_102, %add3A_115 : vector<64x128xi32>
    %select_n3A_117 = arith.select %and3A_114, %add3A_116, %rem3A_102 : vector<64x128xi1>, vector<64x128xi32>
    %eq3A_118 = arith.cmpi eq, %select_n3A_94, %select_n3A_117 : vector<64x128xi32>
    %convert_element_type3A_119 = arith.extui %eq3A_118 : vector<64x128xi1> to vector<64x128xi32>
    %convert_element_type3A_120 = arith.sitofp %convert_element_type3A_119 : vector<64x128xi32> to vector<64x128xf32>
    %iota3A_121 = tpu.iota {dimensions = array<i32: 1>} : vector<4x64xi32>
    %jit3A_122 = arith.constant 16 : i32
    %div3A_123 = vector.broadcast %jit3A_122 : i32 to vector<4x64xi32>
    %div3A_124 = arith.divsi %iota3A_121, %div3A_123 : vector<4x64xi32>
    %sign3A_125 = arith.constant 0 : i32
    %sign3A_126 = vector.broadcast %sign3A_125 : i32 to vector<4x64xi32>
    %sign3A_127 = arith.cmpi sgt, %iota3A_121, %sign3A_126 : vector<4x64xi32>
    %sign3A_128 = arith.extui %sign3A_127 : vector<4x64xi1> to vector<4x64xi32>
    %sign3A_129 = arith.constant 0 : i32
    %sign3A_130 = vector.broadcast %sign3A_129 : i32 to vector<4x64xi32>
    %sign3A_131 = arith.cmpi slt, %iota3A_121, %sign3A_130 : vector<4x64xi32>
    %sign3A_132 = arith.extui %sign3A_131 : vector<4x64xi1> to vector<4x64xi32>
    %sign3A_133 = arith.subi %sign3A_128, %sign3A_132 : vector<4x64xi32>
    %sign3A_134 = arith.constant 0 : i32
    %sign3A_135 = arith.cmpi sgt, %jit3A_122, %sign3A_134 : i32
    %sign3A_136 = arith.extui %sign3A_135 : i1 to i32
    %sign3A_137 = arith.constant 0 : i32
    %sign3A_138 = arith.cmpi slt, %jit3A_122, %sign3A_137 : i32
    %sign3A_139 = arith.extui %sign3A_138 : i1 to i32
    %sign3A_140 = arith.subi %sign3A_136, %sign3A_139 : i32
    %ne3A_141 = vector.broadcast %sign3A_140 : i32 to vector<4x64xi32>
    %ne3A_142 = arith.cmpi ne, %sign3A_133, %ne3A_141 : vector<4x64xi32>
    %rem3A_143 = vector.broadcast %jit3A_122 : i32 to vector<4x64xi32>
    %rem3A_144 = arith.remsi %iota3A_121, %rem3A_143 : vector<4x64xi32>
    %ne3A_145 = arith.constant 0 : i32
    %ne3A_146 = vector.broadcast %ne3A_145 : i32 to vector<4x64xi32>
    %ne3A_147 = arith.cmpi ne, %rem3A_144, %ne3A_146 : vector<4x64xi32>
    %and3A_148 = arith.andi %ne3A_142, %ne3A_147 : vector<4x64xi1>
    %sub3A_149 = arith.constant 1 : i32
    %sub3A_150 = vector.broadcast %sub3A_149 : i32 to vector<4x64xi32>
    %sub3A_151 = arith.subi %div3A_124, %sub3A_150 : vector<4x64xi32>
    %select_n3A_152 = arith.select %and3A_148, %sub3A_151, %div3A_124 : vector<4x64xi1>, vector<4x64xi32>
    %iota3A_153 = tpu.iota {dimensions = array<i32: 0>} : vector<4x64xi32>
    %eq3A_154 = arith.cmpi eq, %select_n3A_152, %iota3A_153 : vector<4x64xi32>
    %convert_element_type3A_155 = arith.extui %eq3A_154 : vector<4x64xi1> to vector<4x64xi32>
    %convert_element_type3A_156 = arith.sitofp %convert_element_type3A_155 : vector<4x64xi32> to vector<4x64xf32>
    %get3A = arith.constant 0 : index
    %get3A_157 = arith.constant 0 : index
    %get3A_158 = vector.load %arg0[%get3A, %get3A_157] : memref<8192x128xf32, #tpu.memory_space<vmem>>, vector<8192x128xf32>
    %reduce_max3A = arith.constant dense<0xFF800000> : vector<128xf32>
    %reduce_max3A_159 = vector.multi_reduction <maximumf>, %get3A_158, %reduce_max3A [0] : vector<8192x128xf32> to vector<128xf32>
    %broadcast_in_dim3A = vector.shape_cast %reduce_max3A_159 : vector<128xf32> to vector<1x128xf32>
    %sub3A_160 = vector.broadcast %broadcast_in_dim3A : vector<1x128xf32> to vector<8192x128xf32>
    %sub3A_161 = arith.subf %get3A_158, %sub3A_160 : vector<8192x128xf32>
    %exp3A = math.exp %sub3A_161 : vector<8192x128xf32>
    %reduce_sum3A = arith.constant dense<0.000000e+00> : vector<128xf32>
    %reduce_sum3A_162 = vector.multi_reduction <add>, %exp3A, %reduce_sum3A [0] : vector<8192x128xf32> to vector<128xf32>
    %broadcast_in_dim3A_163 = vector.shape_cast %reduce_sum3A_162 : vector<128xf32> to vector<1x128xf32>
    %swap3A = arith.constant 0 : index
    %swap3A_164 = arith.constant 0 : index
    %swap3A_165 = vector.load %arg2[%swap3A, %swap3A_164] : memref<1x128xf32, #tpu.memory_space<vmem>>, vector<1x128xf32>
    tpu.vector_store %arg2[%swap3A, %swap3A_164], %broadcast_in_dim3A {strides = array<i32>} : memref<1x128xf32, #tpu.memory_space<vmem>>, vector<1x128xf32>,
    %swap3A_166 = arith.constant 0 : index
    %swap3A_167 = arith.constant 0 : index
    %swap3A_168 = vector.load %arg3[%swap3A_166, %swap3A_167] : memref<1x128xf32, #tpu.memory_space<vmem>>, vector<1x128xf32>
    tpu.vector_store %arg3[%swap3A_166, %swap3A_167], %broadcast_in_dim3A_163 {strides = array<i32>} : memref<1x128xf32, #tpu.memory_space<vmem>>, vector<1x128xf32>,
    %get3A_169 = arith.constant 0 : index
    %get3A_170 = arith.constant 0 : index
    %get3A_171 = vector.load %arg1[%get3A_169, %get3A_170] : memref<64x8xf32, #tpu.memory_space<vmem>>, vector<64x8xf32>
    %reduce_max3A_172 = arith.constant dense<0xFF800000> : vector<64xf32>
    %reduce_max3A_173 = vector.multi_reduction <maximumf>, %get3A_171, %reduce_max3A_172 [1] : vector<64x8xf32> to vector<64xf32>
    %broadcast_in_dim3A_174 = vector.shape_cast %reduce_max3A_173 : vector<64xf32> to vector<64x1xf32>
    %sub3A_175 = vector.broadcast %broadcast_in_dim3A_174 : vector<64x1xf32> to vector<64x8xf32>
    %sub3A_176 = arith.subf %get3A_171, %sub3A_175 : vector<64x8xf32>
    %exp3A_177 = math.exp %sub3A_176 : vector<64x8xf32>
    %reduce_sum3A_178 = arith.constant dense<0.000000e+00> : vector<64xf32>
    %reduce_sum3A_179 = vector.multi_reduction <add>, %exp3A_177, %reduce_sum3A_178 [1] : vector<64x8xf32> to vector<64xf32>
    %broadcast_in_dim3A_180 = vector.shape_cast %reduce_sum3A_179 : vector<64xf32> to vector<64x1xf32>
    %div3A_181 = vector.broadcast %broadcast_in_dim3A_180 : vector<64x1xf32> to vector<64x8xf32>
    %div3A_182 = arith.divf %exp3A_177, %div3A_181 : vector<64x8xf32>
    %slice3A = vector.extract_strided_slice %exp3A {offsets = [1365, 0], sizes = [4096, 128], strides = [1, 1]} : vector<8192x128xf32> to vector<4096x128xf32>
    %div3A_183 = vector.broadcast %broadcast_in_dim3A_163 : vector<1x128xf32> to vector<4096x128xf32>
    %div3A_184 = arith.divf %slice3A, %div3A_183 : vector<4096x128xf32>
    %dot_general3A = arith.constant dense<0.000000e+00> : vector<64x128xf32>
    %dot_general3A_185 = tpu.matmul %div3A_182, %convert_element_type3A_71, %dot_general3A {dimension_numbers = #tpu.dot_dimension_numbers<[1], [0], [0], [1], [0, 0, 1, 1], [], []>, transpose_lhs_hint = false} : vector<64x8xf32>, vector<8x128xf32>, vector<64x128xf32> -> vector<64x128xf32>
    %mul3A = arith.mulf %dot_general3A_185, %convert_element_type3A_120 : vector<64x128xf32>
    %dot_general3A_186 = arith.constant dense<0.000000e+00> : vector<4x128xf32>
    %dot_general3A_187 = tpu.matmul %convert_element_type3A_156, %mul3A, %dot_general3A_186 {dimension_numbers = #tpu.dot_dimension_numbers<[1], [0], [0], [1], [0, 0, 1, 1], [], []>, transpose_lhs_hint = false} : vector<4x64xf32>, vector<64x128xf32>, vector<4x128xf32> -> vector<4x128xf32>
    %broadcast_in_dim3A_188 = vector.shape_cast %dot_general3A_187 : vector<4x128xf32> to vector<1x4x128xf32>
    %broadcast_in_dim3A_189 = vector.shape_cast %broadcast_in_dim3A_188 : vector<1x4x128xf32> to vector<1x4x128xf32>
    %broadcast_in_dim3A_190 = vector.broadcast %broadcast_in_dim3A_189 : vector<1x4x128xf32> to vector<1024x4x128xf32>
    %reshape3A = vector.shape_cast %broadcast_in_dim3A_190 : vector<1024x4x128xf32> to vector<4096x128xf32>
    %mul3A_191 = arith.mulf %div3A_184, %reshape3A : vector<4096x128xf32>
    %dot_general3A_192 = arith.constant dense<0.000000e+00> : vector<4096x128xf32>
    %dot_general3A_193 = tpu.matmul %mul3A_191, %convert_element_type3A_38, %dot_general3A_192 {dimension_numbers = #tpu.dot_dimension_numbers<[1], [0], [0], [1], [0, 0, 1, 1], [], []>, transpose_lhs_hint = false} : vector<4096x128xf32>, vector<128x128xf32>, vector<4096x128xf32> -> vector<4096x128xf32>
    %div3A_194 = arith.divf %mul3A_191, %dot_general3A_193 : vector<4096x128xf32>
    %swap3A_195 = arith.constant 0 : index
    %swap3A_196 = arith.constant 0 : index
    %swap3A_197 = vector.load %arg4[%swap3A_195, %swap3A_196] : memref<4096x128xf32, #tpu.memory_space<vmem>>, vector<4096x128xf32>
    tpu.vector_store %arg4[%swap3A_195, %swap3A_196], %div3A_194 {strides = array<i32>} : memref<4096x128xf32, #tpu.memory_space<vmem>>, vector<4096x128xf32>,
    return
  }
}

module attributes {stable_mosaic.version = 14 : i64} {
  func.func @_tc_body(%arg0: memref<64x88x128xf32, #tpu.memory_space<vmem>>, %arg1: memref<1x128xf32, #tpu.memory_space<vmem>>, %arg2: memref<1x128xf32, #tpu.memory_space<vmem>>, %arg3: memref<4096x128xf32, #tpu.memory_space<vmem>>, %arg4: memref<512x8xf32, #tpu.memory_space<vmem>>, %arg5: memref<64x8xf32, #tpu.memory_space<vmem>>, %arg6: memref<4x16xf32, #tpu.memory_space<vmem>>, %arg7: memref<128x32xf32, #tpu.memory_space<vmem>>) attributes {dimension_semantics = [], scalar_prefetch = 0 : i64, scratch_operands = 0 : i64, tpu.core_type = #tpu.core_type<tc>} {
    %iota3A = tpu.iota {dimensions = array<i32: 0>} : vector<512x128xi32>
    %jit3A = arith.constant 16 : i32
    %eq3A = arith.constant 0 : i32
    %eq3A_0 = arith.cmpi eq, %jit3A, %eq3A : i32
    %jit3A_1 = arith.constant 1 : i32
    %select_n3A = arith.select %eq3A_0, %jit3A_1, %jit3A : i32
    %rem3A = vector.broadcast %select_n3A : i32 to vector<512x128xi32>
    %rem3A_2 = arith.remsi %iota3A, %rem3A : vector<512x128xi32>
    %ne3A = arith.constant 0 : i32
    %ne3A_3 = vector.broadcast %ne3A : i32 to vector<512x128xi32>
    %ne3A_4 = arith.cmpi ne, %rem3A_2, %ne3A_3 : vector<512x128xi32>
    %lt3A = arith.constant 0 : i32
    %lt3A_5 = vector.broadcast %lt3A : i32 to vector<512x128xi32>
    %lt3A_6 = arith.cmpi slt, %rem3A_2, %lt3A_5 : vector<512x128xi32>
    %lt3A_7 = arith.constant 0 : i32
    %lt3A_8 = arith.cmpi slt, %select_n3A, %lt3A_7 : i32
    %ne3A_9 = vector.broadcast %lt3A_8 : i1 to vector<512x128xi1>
    %ne3A_10 = vector.broadcast %ne3A_9 : vector<512x128xi1> to vector<512x128xi1>
    %ne3A_11 = arith.xori %lt3A_6, %ne3A_10 : vector<512x128xi1>
    %and3A = arith.andi %ne3A_11, %ne3A_4 : vector<512x128xi1>
    %add3A = vector.broadcast %select_n3A : i32 to vector<512x128xi32>
    %add3A_12 = arith.addi %rem3A_2, %add3A : vector<512x128xi32>
    %select_n3A_13 = arith.select %and3A, %add3A_12, %rem3A_2 : vector<512x128xi1>, vector<512x128xi32>
    %iota3A_14 = tpu.iota {dimensions = array<i32: 1>} : vector<512x128xi32>
    %jit3A_15 = arith.constant 16 : i32
    %eq3A_16 = arith.constant 0 : i32
    %eq3A_17 = arith.cmpi eq, %jit3A_15, %eq3A_16 : i32
    %jit3A_18 = arith.constant 1 : i32
    %select_n3A_19 = arith.select %eq3A_17, %jit3A_18, %jit3A_15 : i32
    %rem3A_20 = vector.broadcast %select_n3A_19 : i32 to vector<512x128xi32>
    %rem3A_21 = arith.remsi %iota3A_14, %rem3A_20 : vector<512x128xi32>
    %ne3A_22 = arith.constant 0 : i32
    %ne3A_23 = vector.broadcast %ne3A_22 : i32 to vector<512x128xi32>
    %ne3A_24 = arith.cmpi ne, %rem3A_21, %ne3A_23 : vector<512x128xi32>
    %lt3A_25 = arith.constant 0 : i32
    %lt3A_26 = vector.broadcast %lt3A_25 : i32 to vector<512x128xi32>
    %lt3A_27 = arith.cmpi slt, %rem3A_21, %lt3A_26 : vector<512x128xi32>
    %lt3A_28 = arith.constant 0 : i32
    %lt3A_29 = arith.cmpi slt, %select_n3A_19, %lt3A_28 : i32
    %ne3A_30 = vector.broadcast %lt3A_29 : i1 to vector<512x128xi1>
    %ne3A_31 = vector.broadcast %ne3A_30 : vector<512x128xi1> to vector<512x128xi1>
    %ne3A_32 = arith.xori %lt3A_27, %ne3A_31 : vector<512x128xi1>
    %and3A_33 = arith.andi %ne3A_32, %ne3A_24 : vector<512x128xi1>
    %add3A_34 = vector.broadcast %select_n3A_19 : i32 to vector<512x128xi32>
    %add3A_35 = arith.addi %rem3A_21, %add3A_34 : vector<512x128xi32>
    %select_n3A_36 = arith.select %and3A_33, %add3A_35, %rem3A_21 : vector<512x128xi1>, vector<512x128xi32>
    %eq3A_37 = arith.cmpi eq, %select_n3A_13, %select_n3A_36 : vector<512x128xi32>
    %convert_element_type3A = arith.extui %eq3A_37 : vector<512x128xi1> to vector<512x128xi32>
    %convert_element_type3A_38 = arith.sitofp %convert_element_type3A : vector<512x128xi32> to vector<512x128xf32>
    %iota3A_39 = tpu.iota {dimensions = array<i32: 0>} : vector<128x128xi32>
    %jit3A_40 = arith.constant 16 : i32
    %eq3A_41 = arith.constant 0 : i32
    %eq3A_42 = arith.cmpi eq, %jit3A_40, %eq3A_41 : i32
    %jit3A_43 = arith.constant 1 : i32
    %select_n3A_44 = arith.select %eq3A_42, %jit3A_43, %jit3A_40 : i32
    %rem3A_45 = vector.broadcast %select_n3A_44 : i32 to vector<128x128xi32>
    %rem3A_46 = arith.remsi %iota3A_39, %rem3A_45 : vector<128x128xi32>
    %ne3A_47 = arith.constant 0 : i32
    %ne3A_48 = vector.broadcast %ne3A_47 : i32 to vector<128x128xi32>
    %ne3A_49 = arith.cmpi ne, %rem3A_46, %ne3A_48 : vector<128x128xi32>
    %lt3A_50 = arith.constant 0 : i32
    %lt3A_51 = vector.broadcast %lt3A_50 : i32 to vector<128x128xi32>
    %lt3A_52 = arith.cmpi slt, %rem3A_46, %lt3A_51 : vector<128x128xi32>
    %lt3A_53 = arith.constant 0 : i32
    %lt3A_54 = arith.cmpi slt, %select_n3A_44, %lt3A_53 : i32
    %ne3A_55 = vector.broadcast %lt3A_54 : i1 to vector<128x128xi1>
    %ne3A_56 = vector.broadcast %ne3A_55 : vector<128x128xi1> to vector<128x128xi1>
    %ne3A_57 = arith.xori %lt3A_52, %ne3A_56 : vector<128x128xi1>
    %and3A_58 = arith.andi %ne3A_57, %ne3A_49 : vector<128x128xi1>
    %add3A_59 = vector.broadcast %select_n3A_44 : i32 to vector<128x128xi32>
    %add3A_60 = arith.addi %rem3A_46, %add3A_59 : vector<128x128xi32>
    %select_n3A_61 = arith.select %and3A_58, %add3A_60, %rem3A_46 : vector<128x128xi1>, vector<128x128xi32>
    %iota3A_62 = tpu.iota {dimensions = array<i32: 1>} : vector<128x128xi32>
    %jit3A_63 = arith.constant 16 : i32
    %eq3A_64 = arith.constant 0 : i32
    %eq3A_65 = arith.cmpi eq, %jit3A_63, %eq3A_64 : i32
    %jit3A_66 = arith.constant 1 : i32
    %select_n3A_67 = arith.select %eq3A_65, %jit3A_66, %jit3A_63 : i32
    %rem3A_68 = vector.broadcast %select_n3A_67 : i32 to vector<128x128xi32>
    %rem3A_69 = arith.remsi %iota3A_62, %rem3A_68 : vector<128x128xi32>
    %ne3A_70 = arith.constant 0 : i32
    %ne3A_71 = vector.broadcast %ne3A_70 : i32 to vector<128x128xi32>
    %ne3A_72 = arith.cmpi ne, %rem3A_69, %ne3A_71 : vector<128x128xi32>
    %lt3A_73 = arith.constant 0 : i32
    %lt3A_74 = vector.broadcast %lt3A_73 : i32 to vector<128x128xi32>
    %lt3A_75 = arith.cmpi slt, %rem3A_69, %lt3A_74 : vector<128x128xi32>
    %lt3A_76 = arith.constant 0 : i32
    %lt3A_77 = arith.cmpi slt, %select_n3A_67, %lt3A_76 : i32
    %ne3A_78 = vector.broadcast %lt3A_77 : i1 to vector<128x128xi1>
    %ne3A_79 = vector.broadcast %ne3A_78 : vector<128x128xi1> to vector<128x128xi1>
    %ne3A_80 = arith.xori %lt3A_75, %ne3A_79 : vector<128x128xi1>
    %and3A_81 = arith.andi %ne3A_80, %ne3A_72 : vector<128x128xi1>
    %add3A_82 = vector.broadcast %select_n3A_67 : i32 to vector<128x128xi32>
    %add3A_83 = arith.addi %rem3A_69, %add3A_82 : vector<128x128xi32>
    %select_n3A_84 = arith.select %and3A_81, %add3A_83, %rem3A_69 : vector<128x128xi1>, vector<128x128xi32>
    %eq3A_85 = arith.cmpi eq, %select_n3A_61, %select_n3A_84 : vector<128x128xi32>
    %convert_element_type3A_86 = arith.extui %eq3A_85 : vector<128x128xi1> to vector<128x128xi32>
    %convert_element_type3A_87 = arith.sitofp %convert_element_type3A_86 : vector<128x128xi32> to vector<128x128xf32>
    %iota3A_88 = tpu.iota {dimensions = array<i32: 0>} : vector<8x128xi32>
    %iota3A_89 = tpu.iota {dimensions = array<i32: 1>} : vector<8x128xi32>
    %jit3A_90 = arith.constant 16 : i32
    %div3A = vector.broadcast %jit3A_90 : i32 to vector<8x128xi32>
    %div3A_91 = arith.divsi %iota3A_89, %div3A : vector<8x128xi32>
    %sign3A = arith.constant 0 : i32
    %sign3A_92 = vector.broadcast %sign3A : i32 to vector<8x128xi32>
    %sign3A_93 = arith.cmpi sgt, %iota3A_89, %sign3A_92 : vector<8x128xi32>
    %sign3A_94 = arith.extui %sign3A_93 : vector<8x128xi1> to vector<8x128xi32>
    %sign3A_95 = arith.constant 0 : i32
    %sign3A_96 = vector.broadcast %sign3A_95 : i32 to vector<8x128xi32>
    %sign3A_97 = arith.cmpi slt, %iota3A_89, %sign3A_96 : vector<8x128xi32>
    %sign3A_98 = arith.extui %sign3A_97 : vector<8x128xi1> to vector<8x128xi32>
    %sign3A_99 = arith.subi %sign3A_94, %sign3A_98 : vector<8x128xi32>
    %sign3A_100 = arith.constant 0 : i32
    %sign3A_101 = arith.cmpi sgt, %jit3A_90, %sign3A_100 : i32
    %sign3A_102 = arith.extui %sign3A_101 : i1 to i32
    %sign3A_103 = arith.constant 0 : i32
    %sign3A_104 = arith.cmpi slt, %jit3A_90, %sign3A_103 : i32
    %sign3A_105 = arith.extui %sign3A_104 : i1 to i32
    %sign3A_106 = arith.subi %sign3A_102, %sign3A_105 : i32
    %ne3A_107 = vector.broadcast %sign3A_106 : i32 to vector<8x128xi32>
    %ne3A_108 = arith.cmpi ne, %sign3A_99, %ne3A_107 : vector<8x128xi32>
    %rem3A_109 = vector.broadcast %jit3A_90 : i32 to vector<8x128xi32>
    %rem3A_110 = arith.remsi %iota3A_89, %rem3A_109 : vector<8x128xi32>
    %ne3A_111 = arith.constant 0 : i32
    %ne3A_112 = vector.broadcast %ne3A_111 : i32 to vector<8x128xi32>
    %ne3A_113 = arith.cmpi ne, %rem3A_110, %ne3A_112 : vector<8x128xi32>
    %and3A_114 = arith.andi %ne3A_108, %ne3A_113 : vector<8x128xi1>
    %sub3A = arith.constant 1 : i32
    %sub3A_115 = vector.broadcast %sub3A : i32 to vector<8x128xi32>
    %sub3A_116 = arith.subi %div3A_91, %sub3A_115 : vector<8x128xi32>
    %select_n3A_117 = arith.select %and3A_114, %sub3A_116, %div3A_91 : vector<8x128xi1>, vector<8x128xi32>
    %eq3A_118 = arith.cmpi eq, %iota3A_88, %select_n3A_117 : vector<8x128xi32>
    %convert_element_type3A_119 = arith.extui %eq3A_118 : vector<8x128xi1> to vector<8x128xi32>
    %convert_element_type3A_120 = arith.sitofp %convert_element_type3A_119 : vector<8x128xi32> to vector<8x128xf32>
    %iota3A_121 = tpu.iota {dimensions = array<i32: 0>} : vector<64x128xi32>
    %jit3A_122 = arith.constant 16 : i32
    %eq3A_123 = arith.constant 0 : i32
    %eq3A_124 = arith.cmpi eq, %jit3A_122, %eq3A_123 : i32
    %jit3A_125 = arith.constant 1 : i32
    %select_n3A_126 = arith.select %eq3A_124, %jit3A_125, %jit3A_122 : i32
    %rem3A_127 = vector.broadcast %select_n3A_126 : i32 to vector<64x128xi32>
    %rem3A_128 = arith.remsi %iota3A_121, %rem3A_127 : vector<64x128xi32>
    %ne3A_129 = arith.constant 0 : i32
    %ne3A_130 = vector.broadcast %ne3A_129 : i32 to vector<64x128xi32>
    %ne3A_131 = arith.cmpi ne, %rem3A_128, %ne3A_130 : vector<64x128xi32>
    %lt3A_132 = arith.constant 0 : i32
    %lt3A_133 = vector.broadcast %lt3A_132 : i32 to vector<64x128xi32>
    %lt3A_134 = arith.cmpi slt, %rem3A_128, %lt3A_133 : vector<64x128xi32>
    %lt3A_135 = arith.constant 0 : i32
    %lt3A_136 = arith.cmpi slt, %select_n3A_126, %lt3A_135 : i32
    %ne3A_137 = vector.broadcast %lt3A_136 : i1 to vector<64x128xi1>
    %ne3A_138 = vector.broadcast %ne3A_137 : vector<64x128xi1> to vector<64x128xi1>
    %ne3A_139 = arith.xori %lt3A_134, %ne3A_138 : vector<64x128xi1>
    %and3A_140 = arith.andi %ne3A_139, %ne3A_131 : vector<64x128xi1>
    %add3A_141 = vector.broadcast %select_n3A_126 : i32 to vector<64x128xi32>
    %add3A_142 = arith.addi %rem3A_128, %add3A_141 : vector<64x128xi32>
    %select_n3A_143 = arith.select %and3A_140, %add3A_142, %rem3A_128 : vector<64x128xi1>, vector<64x128xi32>
    %iota3A_144 = tpu.iota {dimensions = array<i32: 1>} : vector<64x128xi32>
    %jit3A_145 = arith.constant 16 : i32
    %eq3A_146 = arith.constant 0 : i32
    %eq3A_147 = arith.cmpi eq, %jit3A_145, %eq3A_146 : i32
    %jit3A_148 = arith.constant 1 : i32
    %select_n3A_149 = arith.select %eq3A_147, %jit3A_148, %jit3A_145 : i32
    %rem3A_150 = vector.broadcast %select_n3A_149 : i32 to vector<64x128xi32>
    %rem3A_151 = arith.remsi %iota3A_144, %rem3A_150 : vector<64x128xi32>
    %ne3A_152 = arith.constant 0 : i32
    %ne3A_153 = vector.broadcast %ne3A_152 : i32 to vector<64x128xi32>
    %ne3A_154 = arith.cmpi ne, %rem3A_151, %ne3A_153 : vector<64x128xi32>
    %lt3A_155 = arith.constant 0 : i32
    %lt3A_156 = vector.broadcast %lt3A_155 : i32 to vector<64x128xi32>
    %lt3A_157 = arith.cmpi slt, %rem3A_151, %lt3A_156 : vector<64x128xi32>
    %lt3A_158 = arith.constant 0 : i32
    %lt3A_159 = arith.cmpi slt, %select_n3A_149, %lt3A_158 : i32
    %ne3A_160 = vector.broadcast %lt3A_159 : i1 to vector<64x128xi1>
    %ne3A_161 = vector.broadcast %ne3A_160 : vector<64x128xi1> to vector<64x128xi1>
    %ne3A_162 = arith.xori %lt3A_157, %ne3A_161 : vector<64x128xi1>
    %and3A_163 = arith.andi %ne3A_162, %ne3A_154 : vector<64x128xi1>
    %add3A_164 = vector.broadcast %select_n3A_149 : i32 to vector<64x128xi32>
    %add3A_165 = arith.addi %rem3A_151, %add3A_164 : vector<64x128xi32>
    %select_n3A_166 = arith.select %and3A_163, %add3A_165, %rem3A_151 : vector<64x128xi1>, vector<64x128xi32>
    %eq3A_167 = arith.cmpi eq, %select_n3A_143, %select_n3A_166 : vector<64x128xi32>
    %convert_element_type3A_168 = arith.extui %eq3A_167 : vector<64x128xi1> to vector<64x128xi32>
    %convert_element_type3A_169 = arith.sitofp %convert_element_type3A_168 : vector<64x128xi32> to vector<64x128xf32>
    %iota3A_170 = tpu.iota {dimensions = array<i32: 1>} : vector<4x64xi32>
    %jit3A_171 = arith.constant 16 : i32
    %div3A_172 = vector.broadcast %jit3A_171 : i32 to vector<4x64xi32>
    %div3A_173 = arith.divsi %iota3A_170, %div3A_172 : vector<4x64xi32>
    %sign3A_174 = arith.constant 0 : i32
    %sign3A_175 = vector.broadcast %sign3A_174 : i32 to vector<4x64xi32>
    %sign3A_176 = arith.cmpi sgt, %iota3A_170, %sign3A_175 : vector<4x64xi32>
    %sign3A_177 = arith.extui %sign3A_176 : vector<4x64xi1> to vector<4x64xi32>
    %sign3A_178 = arith.constant 0 : i32
    %sign3A_179 = vector.broadcast %sign3A_178 : i32 to vector<4x64xi32>
    %sign3A_180 = arith.cmpi slt, %iota3A_170, %sign3A_179 : vector<4x64xi32>
    %sign3A_181 = arith.extui %sign3A_180 : vector<4x64xi1> to vector<4x64xi32>
    %sign3A_182 = arith.subi %sign3A_177, %sign3A_181 : vector<4x64xi32>
    %sign3A_183 = arith.constant 0 : i32
    %sign3A_184 = arith.cmpi sgt, %jit3A_171, %sign3A_183 : i32
    %sign3A_185 = arith.extui %sign3A_184 : i1 to i32
    %sign3A_186 = arith.constant 0 : i32
    %sign3A_187 = arith.cmpi slt, %jit3A_171, %sign3A_186 : i32
    %sign3A_188 = arith.extui %sign3A_187 : i1 to i32
    %sign3A_189 = arith.subi %sign3A_185, %sign3A_188 : i32
    %ne3A_190 = vector.broadcast %sign3A_189 : i32 to vector<4x64xi32>
    %ne3A_191 = arith.cmpi ne, %sign3A_182, %ne3A_190 : vector<4x64xi32>
    %rem3A_192 = vector.broadcast %jit3A_171 : i32 to vector<4x64xi32>
    %rem3A_193 = arith.remsi %iota3A_170, %rem3A_192 : vector<4x64xi32>
    %ne3A_194 = arith.constant 0 : i32
    %ne3A_195 = vector.broadcast %ne3A_194 : i32 to vector<4x64xi32>
    %ne3A_196 = arith.cmpi ne, %rem3A_193, %ne3A_195 : vector<4x64xi32>
    %and3A_197 = arith.andi %ne3A_191, %ne3A_196 : vector<4x64xi1>
    %sub3A_198 = arith.constant 1 : i32
    %sub3A_199 = vector.broadcast %sub3A_198 : i32 to vector<4x64xi32>
    %sub3A_200 = arith.subi %div3A_173, %sub3A_199 : vector<4x64xi32>
    %select_n3A_201 = arith.select %and3A_197, %sub3A_200, %div3A_173 : vector<4x64xi1>, vector<4x64xi32>
    %iota3A_202 = tpu.iota {dimensions = array<i32: 0>} : vector<4x64xi32>
    %eq3A_203 = arith.cmpi eq, %select_n3A_201, %iota3A_202 : vector<4x64xi32>
    %convert_element_type3A_204 = arith.extui %eq3A_203 : vector<4x64xi1> to vector<4x64xi32>
    %convert_element_type3A_205 = arith.sitofp %convert_element_type3A_204 : vector<4x64xi32> to vector<4x64xf32>
    %iota3A_206 = tpu.iota {dimensions = array<i32: 0>} : vector<512x32xi32>
    %jit3A_207 = arith.constant 16 : i32
    %div3A_208 = vector.broadcast %jit3A_207 : i32 to vector<512x32xi32>
    %div3A_209 = arith.divsi %iota3A_206, %div3A_208 : vector<512x32xi32>
    %sign3A_210 = arith.constant 0 : i32
    %sign3A_211 = vector.broadcast %sign3A_210 : i32 to vector<512x32xi32>
    %sign3A_212 = arith.cmpi sgt, %iota3A_206, %sign3A_211 : vector<512x32xi32>
    %sign3A_213 = arith.extui %sign3A_212 : vector<512x32xi1> to vector<512x32xi32>
    %sign3A_214 = arith.constant 0 : i32
    %sign3A_215 = vector.broadcast %sign3A_214 : i32 to vector<512x32xi32>
    %sign3A_216 = arith.cmpi slt, %iota3A_206, %sign3A_215 : vector<512x32xi32>
    %sign3A_217 = arith.extui %sign3A_216 : vector<512x32xi1> to vector<512x32xi32>
    %sign3A_218 = arith.subi %sign3A_213, %sign3A_217 : vector<512x32xi32>
    %sign3A_219 = arith.constant 0 : i32
    %sign3A_220 = arith.cmpi sgt, %jit3A_207, %sign3A_219 : i32
    %sign3A_221 = arith.extui %sign3A_220 : i1 to i32
    %sign3A_222 = arith.constant 0 : i32
    %sign3A_223 = arith.cmpi slt, %jit3A_207, %sign3A_222 : i32
    %sign3A_224 = arith.extui %sign3A_223 : i1 to i32
    %sign3A_225 = arith.subi %sign3A_221, %sign3A_224 : i32
    %ne3A_226 = vector.broadcast %sign3A_225 : i32 to vector<512x32xi32>
    %ne3A_227 = arith.cmpi ne, %sign3A_218, %ne3A_226 : vector<512x32xi32>
    %rem3A_228 = vector.broadcast %jit3A_207 : i32 to vector<512x32xi32>
    %rem3A_229 = arith.remsi %iota3A_206, %rem3A_228 : vector<512x32xi32>
    %ne3A_230 = arith.constant 0 : i32
    %ne3A_231 = vector.broadcast %ne3A_230 : i32 to vector<512x32xi32>
    %ne3A_232 = arith.cmpi ne, %rem3A_229, %ne3A_231 : vector<512x32xi32>
    %and3A_233 = arith.andi %ne3A_227, %ne3A_232 : vector<512x32xi1>
    %sub3A_234 = arith.constant 1 : i32
    %sub3A_235 = vector.broadcast %sub3A_234 : i32 to vector<512x32xi32>
    %sub3A_236 = arith.subi %div3A_209, %sub3A_235 : vector<512x32xi32>
    %select_n3A_237 = arith.select %and3A_233, %sub3A_236, %div3A_209 : vector<512x32xi1>, vector<512x32xi32>
    %iota3A_238 = tpu.iota {dimensions = array<i32: 1>} : vector<512x32xi32>
    %eq3A_239 = arith.cmpi eq, %select_n3A_237, %iota3A_238 : vector<512x32xi32>
    %convert_element_type3A_240 = arith.extui %eq3A_239 : vector<512x32xi1> to vector<512x32xi32>
    %convert_element_type3A_241 = arith.sitofp %convert_element_type3A_240 : vector<512x32xi32> to vector<512x32xf32>
    %iota3A_242 = tpu.iota {dimensions = array<i32: 0>} : vector<128x16xi32>
    %jit3A_243 = arith.constant 16 : i32
    %eq3A_244 = arith.constant 0 : i32
    %eq3A_245 = arith.cmpi eq, %jit3A_243, %eq3A_244 : i32
    %jit3A_246 = arith.constant 1 : i32
    %select_n3A_247 = arith.select %eq3A_245, %jit3A_246, %jit3A_243 : i32
    %rem3A_248 = vector.broadcast %select_n3A_247 : i32 to vector<128x16xi32>
    %rem3A_249 = arith.remsi %iota3A_242, %rem3A_248 : vector<128x16xi32>
    %ne3A_250 = arith.constant 0 : i32
    %ne3A_251 = vector.broadcast %ne3A_250 : i32 to vector<128x16xi32>
    %ne3A_252 = arith.cmpi ne, %rem3A_249, %ne3A_251 : vector<128x16xi32>
    %lt3A_253 = arith.constant 0 : i32
    %lt3A_254 = vector.broadcast %lt3A_253 : i32 to vector<128x16xi32>
    %lt3A_255 = arith.cmpi slt, %rem3A_249, %lt3A_254 : vector<128x16xi32>
    %lt3A_256 = arith.constant 0 : i32
    %lt3A_257 = arith.cmpi slt, %select_n3A_247, %lt3A_256 : i32
    %ne3A_258 = vector.broadcast %lt3A_257 : i1 to vector<128x16xi1>
    %ne3A_259 = vector.broadcast %ne3A_258 : vector<128x16xi1> to vector<128x16xi1>
    %ne3A_260 = arith.xori %lt3A_255, %ne3A_259 : vector<128x16xi1>
    %and3A_261 = arith.andi %ne3A_260, %ne3A_252 : vector<128x16xi1>
    %add3A_262 = vector.broadcast %select_n3A_247 : i32 to vector<128x16xi32>
    %add3A_263 = arith.addi %rem3A_249, %add3A_262 : vector<128x16xi32>
    %select_n3A_264 = arith.select %and3A_261, %add3A_263, %rem3A_249 : vector<128x16xi1>, vector<128x16xi32>
    %iota3A_265 = tpu.iota {dimensions = array<i32: 1>} : vector<128x16xi32>
    %eq3A_266 = arith.cmpi eq, %select_n3A_264, %iota3A_265 : vector<128x16xi32>
    %convert_element_type3A_267 = arith.extui %eq3A_266 : vector<128x16xi1> to vector<128x16xi32>
    %convert_element_type3A_268 = arith.sitofp %convert_element_type3A_267 : vector<128x16xi32> to vector<128x16xf32>
    %iota3A_269 = tpu.iota {dimensions = array<i32: 1>} : vector<4x32xi32>
    %jit3A_270 = arith.constant 8 : i32
    %div3A_271 = vector.broadcast %jit3A_270 : i32 to vector<4x32xi32>
    %div3A_272 = arith.divsi %iota3A_269, %div3A_271 : vector<4x32xi32>
    %sign3A_273 = arith.constant 0 : i32
    %sign3A_274 = vector.broadcast %sign3A_273 : i32 to vector<4x32xi32>
    %sign3A_275 = arith.cmpi sgt, %iota3A_269, %sign3A_274 : vector<4x32xi32>
    %sign3A_276 = arith.extui %sign3A_275 : vector<4x32xi1> to vector<4x32xi32>
    %sign3A_277 = arith.constant 0 : i32
    %sign3A_278 = vector.broadcast %sign3A_277 : i32 to vector<4x32xi32>
    %sign3A_279 = arith.cmpi slt, %iota3A_269, %sign3A_278 : vector<4x32xi32>
    %sign3A_280 = arith.extui %sign3A_279 : vector<4x32xi1> to vector<4x32xi32>
    %sign3A_281 = arith.subi %sign3A_276, %sign3A_280 : vector<4x32xi32>
    %sign3A_282 = arith.constant 0 : i32
    %sign3A_283 = arith.cmpi sgt, %jit3A_270, %sign3A_282 : i32
    %sign3A_284 = arith.extui %sign3A_283 : i1 to i32
    %sign3A_285 = arith.constant 0 : i32
    %sign3A_286 = arith.cmpi slt, %jit3A_270, %sign3A_285 : i32
    %sign3A_287 = arith.extui %sign3A_286 : i1 to i32
    %sign3A_288 = arith.subi %sign3A_284, %sign3A_287 : i32
    %ne3A_289 = vector.broadcast %sign3A_288 : i32 to vector<4x32xi32>
    %ne3A_290 = arith.cmpi ne, %sign3A_281, %ne3A_289 : vector<4x32xi32>
    %rem3A_291 = vector.broadcast %jit3A_270 : i32 to vector<4x32xi32>
    %rem3A_292 = arith.remsi %iota3A_269, %rem3A_291 : vector<4x32xi32>
    %ne3A_293 = arith.constant 0 : i32
    %ne3A_294 = vector.broadcast %ne3A_293 : i32 to vector<4x32xi32>
    %ne3A_295 = arith.cmpi ne, %rem3A_292, %ne3A_294 : vector<4x32xi32>
    %and3A_296 = arith.andi %ne3A_290, %ne3A_295 : vector<4x32xi1>
    %sub3A_297 = arith.constant 1 : i32
    %sub3A_298 = vector.broadcast %sub3A_297 : i32 to vector<4x32xi32>
    %sub3A_299 = arith.subi %div3A_272, %sub3A_298 : vector<4x32xi32>
    %select_n3A_300 = arith.select %and3A_296, %sub3A_299, %div3A_272 : vector<4x32xi1>, vector<4x32xi32>
    %iota3A_301 = tpu.iota {dimensions = array<i32: 0>} : vector<4x32xi32>
    %eq3A_302 = arith.cmpi eq, %select_n3A_300, %iota3A_301 : vector<4x32xi32>
    %convert_element_type3A_303 = arith.extui %eq3A_302 : vector<4x32xi1> to vector<4x32xi32>
    %convert_element_type3A_304 = arith.sitofp %convert_element_type3A_303 : vector<4x32xi32> to vector<4x32xf32>
    %iota3A_305 = tpu.iota {dimensions = array<i32: 0>} : vector<512x4xi32>
    %jit3A_306 = arith.constant 128 : i32
    %div3A_307 = vector.broadcast %jit3A_306 : i32 to vector<512x4xi32>
    %div3A_308 = arith.divsi %iota3A_305, %div3A_307 : vector<512x4xi32>
    %sign3A_309 = arith.constant 0 : i32
    %sign3A_310 = vector.broadcast %sign3A_309 : i32 to vector<512x4xi32>
    %sign3A_311 = arith.cmpi sgt, %iota3A_305, %sign3A_310 : vector<512x4xi32>
    %sign3A_312 = arith.extui %sign3A_311 : vector<512x4xi1> to vector<512x4xi32>
    %sign3A_313 = arith.constant 0 : i32
    %sign3A_314 = vector.broadcast %sign3A_313 : i32 to vector<512x4xi32>
    %sign3A_315 = arith.cmpi slt, %iota3A_305, %sign3A_314 : vector<512x4xi32>
    %sign3A_316 = arith.extui %sign3A_315 : vector<512x4xi1> to vector<512x4xi32>
    %sign3A_317 = arith.subi %sign3A_312, %sign3A_316 : vector<512x4xi32>
    %sign3A_318 = arith.constant 0 : i32
    %sign3A_319 = arith.cmpi sgt, %jit3A_306, %sign3A_318 : i32
    %sign3A_320 = arith.extui %sign3A_319 : i1 to i32
    %sign3A_321 = arith.constant 0 : i32
    %sign3A_322 = arith.cmpi slt, %jit3A_306, %sign3A_321 : i32
    %sign3A_323 = arith.extui %sign3A_322 : i1 to i32
    %sign3A_324 = arith.subi %sign3A_320, %sign3A_323 : i32
    %ne3A_325 = vector.broadcast %sign3A_324 : i32 to vector<512x4xi32>
    %ne3A_326 = arith.cmpi ne, %sign3A_317, %ne3A_325 : vector<512x4xi32>
    %rem3A_327 = vector.broadcast %jit3A_306 : i32 to vector<512x4xi32>
    %rem3A_328 = arith.remsi %iota3A_305, %rem3A_327 : vector<512x4xi32>
    %ne3A_329 = arith.constant 0 : i32
    %ne3A_330 = vector.broadcast %ne3A_329 : i32 to vector<512x4xi32>
    %ne3A_331 = arith.cmpi ne, %rem3A_328, %ne3A_330 : vector<512x4xi32>
    %and3A_332 = arith.andi %ne3A_326, %ne3A_331 : vector<512x4xi1>
    %sub3A_333 = arith.constant 1 : i32
    %sub3A_334 = vector.broadcast %sub3A_333 : i32 to vector<512x4xi32>
    %sub3A_335 = arith.subi %div3A_308, %sub3A_334 : vector<512x4xi32>
    %select_n3A_336 = arith.select %and3A_332, %sub3A_335, %div3A_308 : vector<512x4xi1>, vector<512x4xi32>
    %iota3A_337 = tpu.iota {dimensions = array<i32: 1>} : vector<512x4xi32>
    %eq3A_338 = arith.cmpi eq, %select_n3A_336, %iota3A_337 : vector<512x4xi32>
    %convert_element_type3A_339 = arith.extui %eq3A_338 : vector<512x4xi1> to vector<512x4xi32>
    %convert_element_type3A_340 = arith.sitofp %convert_element_type3A_339 : vector<512x4xi32> to vector<512x4xf32>
    %iota3A_341 = tpu.iota {dimensions = array<i32: 0>} : vector<512x16xi32>
    %jit3A_342 = arith.constant 16 : i32
    %eq3A_343 = arith.constant 0 : i32
    %eq3A_344 = arith.cmpi eq, %jit3A_342, %eq3A_343 : i32
    %jit3A_345 = arith.constant 1 : i32
    %select_n3A_346 = arith.select %eq3A_344, %jit3A_345, %jit3A_342 : i32
    %rem3A_347 = vector.broadcast %select_n3A_346 : i32 to vector<512x16xi32>
    %rem3A_348 = arith.remsi %iota3A_341, %rem3A_347 : vector<512x16xi32>
    %ne3A_349 = arith.constant 0 : i32
    %ne3A_350 = vector.broadcast %ne3A_349 : i32 to vector<512x16xi32>
    %ne3A_351 = arith.cmpi ne, %rem3A_348, %ne3A_350 : vector<512x16xi32>
    %lt3A_352 = arith.constant 0 : i32
    %lt3A_353 = vector.broadcast %lt3A_352 : i32 to vector<512x16xi32>
    %lt3A_354 = arith.cmpi slt, %rem3A_348, %lt3A_353 : vector<512x16xi32>
    %lt3A_355 = arith.constant 0 : i32
    %lt3A_356 = arith.cmpi slt, %select_n3A_346, %lt3A_355 : i32
    %ne3A_357 = vector.broadcast %lt3A_356 : i1 to vector<512x16xi1>
    %ne3A_358 = vector.broadcast %ne3A_357 : vector<512x16xi1> to vector<512x16xi1>
    %ne3A_359 = arith.xori %lt3A_354, %ne3A_358 : vector<512x16xi1>
    %and3A_360 = arith.andi %ne3A_359, %ne3A_351 : vector<512x16xi1>
    %add3A_361 = vector.broadcast %select_n3A_346 : i32 to vector<512x16xi32>
    %add3A_362 = arith.addi %rem3A_348, %add3A_361 : vector<512x16xi32>
    %select_n3A_363 = arith.select %and3A_360, %add3A_362, %rem3A_348 : vector<512x16xi1>, vector<512x16xi32>
    %iota3A_364 = tpu.iota {dimensions = array<i32: 1>} : vector<512x16xi32>
    %eq3A_365 = arith.cmpi eq, %select_n3A_363, %iota3A_364 : vector<512x16xi32>
    %convert_element_type3A_366 = arith.extui %eq3A_365 : vector<512x16xi1> to vector<512x16xi32>
    %convert_element_type3A_367 = arith.sitofp %convert_element_type3A_366 : vector<512x16xi32> to vector<512x16xf32>
    %iota3A_368 = tpu.iota {dimensions = array<i32: 0>} : vector<512x128xi32>
    %jit3A_369 = arith.constant 128 : i32
    %eq3A_370 = arith.constant 0 : i32
    %eq3A_371 = arith.cmpi eq, %jit3A_369, %eq3A_370 : i32
    %jit3A_372 = arith.constant 1 : i32
    %select_n3A_373 = arith.select %eq3A_371, %jit3A_372, %jit3A_369 : i32
    %rem3A_374 = vector.broadcast %select_n3A_373 : i32 to vector<512x128xi32>
    %rem3A_375 = arith.remsi %iota3A_368, %rem3A_374 : vector<512x128xi32>
    %ne3A_376 = arith.constant 0 : i32
    %ne3A_377 = vector.broadcast %ne3A_376 : i32 to vector<512x128xi32>
    %ne3A_378 = arith.cmpi ne, %rem3A_375, %ne3A_377 : vector<512x128xi32>
    %lt3A_379 = arith.constant 0 : i32
    %lt3A_380 = vector.broadcast %lt3A_379 : i32 to vector<512x128xi32>
    %lt3A_381 = arith.cmpi slt, %rem3A_375, %lt3A_380 : vector<512x128xi32>
    %lt3A_382 = arith.constant 0 : i32
    %lt3A_383 = arith.cmpi slt, %select_n3A_373, %lt3A_382 : i32
    %ne3A_384 = vector.broadcast %lt3A_383 : i1 to vector<512x128xi1>
    %ne3A_385 = vector.broadcast %ne3A_384 : vector<512x128xi1> to vector<512x128xi1>
    %ne3A_386 = arith.xori %lt3A_381, %ne3A_385 : vector<512x128xi1>
    %and3A_387 = arith.andi %ne3A_386, %ne3A_378 : vector<512x128xi1>
    %add3A_388 = vector.broadcast %select_n3A_373 : i32 to vector<512x128xi32>
    %add3A_389 = arith.addi %rem3A_375, %add3A_388 : vector<512x128xi32>
    %select_n3A_390 = arith.select %and3A_387, %add3A_389, %rem3A_375 : vector<512x128xi1>, vector<512x128xi32>
    %iota3A_391 = tpu.iota {dimensions = array<i32: 1>} : vector<512x128xi32>
    %eq3A_392 = arith.cmpi eq, %select_n3A_390, %iota3A_391 : vector<512x128xi32>
    %convert_element_type3A_393 = arith.extui %eq3A_392 : vector<512x128xi1> to vector<512x128xi32>
    %convert_element_type3A_394 = arith.sitofp %convert_element_type3A_393 : vector<512x128xi32> to vector<512x128xf32>
    %iota3A_395 = tpu.iota {dimensions = array<i32: 0>} : vector<128x512xi32>
    %jit3A_396 = arith.constant 16 : i32
    %eq3A_397 = arith.constant 0 : i32
    %eq3A_398 = arith.cmpi eq, %jit3A_396, %eq3A_397 : i32
    %jit3A_399 = arith.constant 1 : i32
    %select_n3A_400 = arith.select %eq3A_398, %jit3A_399, %jit3A_396 : i32
    %rem3A_401 = vector.broadcast %select_n3A_400 : i32 to vector<128x512xi32>
    %rem3A_402 = arith.remsi %iota3A_395, %rem3A_401 : vector<128x512xi32>
    %ne3A_403 = arith.constant 0 : i32
    %ne3A_404 = vector.broadcast %ne3A_403 : i32 to vector<128x512xi32>
    %ne3A_405 = arith.cmpi ne, %rem3A_402, %ne3A_404 : vector<128x512xi32>
    %lt3A_406 = arith.constant 0 : i32
    %lt3A_407 = vector.broadcast %lt3A_406 : i32 to vector<128x512xi32>
    %lt3A_408 = arith.cmpi slt, %rem3A_402, %lt3A_407 : vector<128x512xi32>
    %lt3A_409 = arith.constant 0 : i32
    %lt3A_410 = arith.cmpi slt, %select_n3A_400, %lt3A_409 : i32
    %ne3A_411 = vector.broadcast %lt3A_410 : i1 to vector<128x512xi1>
    %ne3A_412 = vector.broadcast %ne3A_411 : vector<128x512xi1> to vector<128x512xi1>
    %ne3A_413 = arith.xori %lt3A_408, %ne3A_412 : vector<128x512xi1>
    %and3A_414 = arith.andi %ne3A_413, %ne3A_405 : vector<128x512xi1>
    %add3A_415 = vector.broadcast %select_n3A_400 : i32 to vector<128x512xi32>
    %add3A_416 = arith.addi %rem3A_402, %add3A_415 : vector<128x512xi32>
    %select_n3A_417 = arith.select %and3A_414, %add3A_416, %rem3A_402 : vector<128x512xi1>, vector<128x512xi32>
    %iota3A_418 = tpu.iota {dimensions = array<i32: 1>} : vector<128x512xi32>
    %jit3A_419 = arith.constant 16 : i32
    %eq3A_420 = arith.constant 0 : i32
    %eq3A_421 = arith.cmpi eq, %jit3A_419, %eq3A_420 : i32
    %jit3A_422 = arith.constant 1 : i32
    %select_n3A_423 = arith.select %eq3A_421, %jit3A_422, %jit3A_419 : i32
    %rem3A_424 = vector.broadcast %select_n3A_423 : i32 to vector<128x512xi32>
    %rem3A_425 = arith.remsi %iota3A_418, %rem3A_424 : vector<128x512xi32>
    %ne3A_426 = arith.constant 0 : i32
    %ne3A_427 = vector.broadcast %ne3A_426 : i32 to vector<128x512xi32>
    %ne3A_428 = arith.cmpi ne, %rem3A_425, %ne3A_427 : vector<128x512xi32>
    %lt3A_429 = arith.constant 0 : i32
    %lt3A_430 = vector.broadcast %lt3A_429 : i32 to vector<128x512xi32>
    %lt3A_431 = arith.cmpi slt, %rem3A_425, %lt3A_430 : vector<128x512xi32>
    %lt3A_432 = arith.constant 0 : i32
    %lt3A_433 = arith.cmpi slt, %select_n3A_423, %lt3A_432 : i32
    %ne3A_434 = vector.broadcast %lt3A_433 : i1 to vector<128x512xi1>
    %ne3A_435 = vector.broadcast %ne3A_434 : vector<128x512xi1> to vector<128x512xi1>
    %ne3A_436 = arith.xori %lt3A_431, %ne3A_435 : vector<128x512xi1>
    %and3A_437 = arith.andi %ne3A_436, %ne3A_428 : vector<128x512xi1>
    %add3A_438 = vector.broadcast %select_n3A_423 : i32 to vector<128x512xi32>
    %add3A_439 = arith.addi %rem3A_425, %add3A_438 : vector<128x512xi32>
    %select_n3A_440 = arith.select %and3A_437, %add3A_439, %rem3A_425 : vector<128x512xi1>, vector<128x512xi32>
    %eq3A_441 = arith.cmpi eq, %select_n3A_417, %select_n3A_440 : vector<128x512xi32>
    %convert_element_type3A_442 = arith.extui %eq3A_441 : vector<128x512xi1> to vector<128x512xi32>
    %convert_element_type3A_443 = arith.sitofp %convert_element_type3A_442 : vector<128x512xi32> to vector<128x512xf32>
    %iota3A_444 = tpu.iota {dimensions = array<i32: 0>} : vector<32x32xi32>
    %jit3A_445 = arith.constant 8 : i32
    %div3A_446 = vector.broadcast %jit3A_445 : i32 to vector<32x32xi32>
    %div3A_447 = arith.divsi %iota3A_444, %div3A_446 : vector<32x32xi32>
    %sign3A_448 = arith.constant 0 : i32
    %sign3A_449 = vector.broadcast %sign3A_448 : i32 to vector<32x32xi32>
    %sign3A_450 = arith.cmpi sgt, %iota3A_444, %sign3A_449 : vector<32x32xi32>
    %sign3A_451 = arith.extui %sign3A_450 : vector<32x32xi1> to vector<32x32xi32>
    %sign3A_452 = arith.constant 0 : i32
    %sign3A_453 = vector.broadcast %sign3A_452 : i32 to vector<32x32xi32>
    %sign3A_454 = arith.cmpi slt, %iota3A_444, %sign3A_453 : vector<32x32xi32>
    %sign3A_455 = arith.extui %sign3A_454 : vector<32x32xi1> to vector<32x32xi32>
    %sign3A_456 = arith.subi %sign3A_451, %sign3A_455 : vector<32x32xi32>
    %sign3A_457 = arith.constant 0 : i32
    %sign3A_458 = arith.cmpi sgt, %jit3A_445, %sign3A_457 : i32
    %sign3A_459 = arith.extui %sign3A_458 : i1 to i32
    %sign3A_460 = arith.constant 0 : i32
    %sign3A_461 = arith.cmpi slt, %jit3A_445, %sign3A_460 : i32
    %sign3A_462 = arith.extui %sign3A_461 : i1 to i32
    %sign3A_463 = arith.subi %sign3A_459, %sign3A_462 : i32
    %ne3A_464 = vector.broadcast %sign3A_463 : i32 to vector<32x32xi32>
    %ne3A_465 = arith.cmpi ne, %sign3A_456, %ne3A_464 : vector<32x32xi32>
    %rem3A_466 = vector.broadcast %jit3A_445 : i32 to vector<32x32xi32>
    %rem3A_467 = arith.remsi %iota3A_444, %rem3A_466 : vector<32x32xi32>
    %ne3A_468 = arith.constant 0 : i32
    %ne3A_469 = vector.broadcast %ne3A_468 : i32 to vector<32x32xi32>
    %ne3A_470 = arith.cmpi ne, %rem3A_467, %ne3A_469 : vector<32x32xi32>
    %and3A_471 = arith.andi %ne3A_465, %ne3A_470 : vector<32x32xi1>
    %sub3A_472 = arith.constant 1 : i32
    %sub3A_473 = vector.broadcast %sub3A_472 : i32 to vector<32x32xi32>
    %sub3A_474 = arith.subi %div3A_447, %sub3A_473 : vector<32x32xi32>
    %select_n3A_475 = arith.select %and3A_471, %sub3A_474, %div3A_447 : vector<32x32xi1>, vector<32x32xi32>
    %iota3A_476 = tpu.iota {dimensions = array<i32: 1>} : vector<32x32xi32>
    %jit3A_477 = arith.constant 8 : i32
    %div3A_478 = vector.broadcast %jit3A_477 : i32 to vector<32x32xi32>
    %div3A_479 = arith.divsi %iota3A_476, %div3A_478 : vector<32x32xi32>
    %sign3A_480 = arith.constant 0 : i32
    %sign3A_481 = vector.broadcast %sign3A_480 : i32 to vector<32x32xi32>
    %sign3A_482 = arith.cmpi sgt, %iota3A_476, %sign3A_481 : vector<32x32xi32>
    %sign3A_483 = arith.extui %sign3A_482 : vector<32x32xi1> to vector<32x32xi32>
    %sign3A_484 = arith.constant 0 : i32
    %sign3A_485 = vector.broadcast %sign3A_484 : i32 to vector<32x32xi32>
    %sign3A_486 = arith.cmpi slt, %iota3A_476, %sign3A_485 : vector<32x32xi32>
    %sign3A_487 = arith.extui %sign3A_486 : vector<32x32xi1> to vector<32x32xi32>
    %sign3A_488 = arith.subi %sign3A_483, %sign3A_487 : vector<32x32xi32>
    %sign3A_489 = arith.constant 0 : i32
    %sign3A_490 = arith.cmpi sgt, %jit3A_477, %sign3A_489 : i32
    %sign3A_491 = arith.extui %sign3A_490 : i1 to i32
    %sign3A_492 = arith.constant 0 : i32
    %sign3A_493 = arith.cmpi slt, %jit3A_477, %sign3A_492 : i32
    %sign3A_494 = arith.extui %sign3A_493 : i1 to i32
    %sign3A_495 = arith.subi %sign3A_491, %sign3A_494 : i32
    %ne3A_496 = vector.broadcast %sign3A_495 : i32 to vector<32x32xi32>
    %ne3A_497 = arith.cmpi ne, %sign3A_488, %ne3A_496 : vector<32x32xi32>
    %rem3A_498 = vector.broadcast %jit3A_477 : i32 to vector<32x32xi32>
    %rem3A_499 = arith.remsi %iota3A_476, %rem3A_498 : vector<32x32xi32>
    %ne3A_500 = arith.constant 0 : i32
    %ne3A_501 = vector.broadcast %ne3A_500 : i32 to vector<32x32xi32>
    %ne3A_502 = arith.cmpi ne, %rem3A_499, %ne3A_501 : vector<32x32xi32>
    %and3A_503 = arith.andi %ne3A_497, %ne3A_502 : vector<32x32xi1>
    %sub3A_504 = arith.constant 1 : i32
    %sub3A_505 = vector.broadcast %sub3A_504 : i32 to vector<32x32xi32>
    %sub3A_506 = arith.subi %div3A_479, %sub3A_505 : vector<32x32xi32>
    %select_n3A_507 = arith.select %and3A_503, %sub3A_506, %div3A_479 : vector<32x32xi1>, vector<32x32xi32>
    %eq3A_508 = arith.cmpi eq, %select_n3A_475, %select_n3A_507 : vector<32x32xi32>
    %convert_element_type3A_509 = arith.extui %eq3A_508 : vector<32x32xi1> to vector<32x32xi32>
    %convert_element_type3A_510 = arith.sitofp %convert_element_type3A_509 : vector<32x32xi32> to vector<32x32xf32>
    %get3A = arith.constant 0 : index
    %get3A_511 = arith.constant 0 : index
    %get3A_512 = vector.load %arg1[%get3A, %get3A_511] : memref<1x128xf32, #tpu.memory_space<vmem>>, vector<1x128xf32>
    %get3A_513 = arith.constant 0 : index
    %get3A_514 = arith.constant 0 : index
    %get3A_515 = vector.load %arg2[%get3A_513, %get3A_514] : memref<1x128xf32, #tpu.memory_space<vmem>>, vector<1x128xf32>
    %log3A = math.log %get3A_515 : vector<1x128xf32>
    %get3A_516 = arith.constant 0 : index
    %get3A_517 = arith.constant 0 : index
    %get3A_518 = vector.load %arg4[%get3A_516, %get3A_517] : memref<512x8xf32, #tpu.memory_space<vmem>>, vector<512x8xf32>
    %reduce_max3A = arith.constant dense<0xFF800000> : vector<512xf32>
    %reduce_max3A_519 = vector.multi_reduction <maximumf>, %get3A_518, %reduce_max3A [1] : vector<512x8xf32> to vector<512xf32>
    %broadcast_in_dim3A = vector.shape_cast %reduce_max3A_519 : vector<512xf32> to vector<512x1xf32>
    %sub3A_520 = vector.broadcast %broadcast_in_dim3A : vector<512x1xf32> to vector<512x8xf32>
    %sub3A_521 = arith.subf %get3A_518, %sub3A_520 : vector<512x8xf32>
    %exp3A = math.exp %sub3A_521 : vector<512x8xf32>
    %reduce_sum3A = arith.constant dense<0.000000e+00> : vector<512xf32>
    %reduce_sum3A_522 = vector.multi_reduction <add>, %exp3A, %reduce_sum3A [1] : vector<512x8xf32> to vector<512xf32>
    %broadcast_in_dim3A_523 = vector.shape_cast %reduce_sum3A_522 : vector<512xf32> to vector<512x1xf32>
    %div3A_524 = vector.broadcast %broadcast_in_dim3A_523 : vector<512x1xf32> to vector<512x8xf32>
    %div3A_525 = arith.divf %exp3A, %div3A_524 : vector<512x8xf32>
    %sub3A_526 = vector.broadcast %broadcast_in_dim3A : vector<512x1xf32> to vector<512x8xf32>
    %sub3A_527 = arith.subf %get3A_518, %sub3A_526 : vector<512x8xf32>
    %log3A_528 = math.log %broadcast_in_dim3A_523 : vector<512x1xf32>
    %sub3A_529 = vector.broadcast %log3A_528 : vector<512x1xf32> to vector<512x8xf32>
    %sub3A_530 = arith.subf %sub3A_527, %sub3A_529 : vector<512x8xf32>
    %get3A_531 = arith.constant 0 : index
    %get3A_532 = arith.constant 0 : index
    %get3A_533 = vector.load %arg5[%get3A_531, %get3A_532] : memref<64x8xf32, #tpu.memory_space<vmem>>, vector<64x8xf32>
    %reduce_max3A_534 = arith.constant dense<0xFF800000> : vector<64xf32>
    %reduce_max3A_535 = vector.multi_reduction <maximumf>, %get3A_533, %reduce_max3A_534 [1] : vector<64x8xf32> to vector<64xf32>
    %broadcast_in_dim3A_536 = vector.shape_cast %reduce_max3A_535 : vector<64xf32> to vector<64x1xf32>
    %sub3A_537 = vector.broadcast %broadcast_in_dim3A_536 : vector<64x1xf32> to vector<64x8xf32>
    %sub3A_538 = arith.subf %get3A_533, %sub3A_537 : vector<64x8xf32>
    %exp3A_539 = math.exp %sub3A_538 : vector<64x8xf32>
    %sub3A_540 = vector.broadcast %broadcast_in_dim3A_536 : vector<64x1xf32> to vector<64x8xf32>
    %sub3A_541 = arith.subf %get3A_533, %sub3A_540 : vector<64x8xf32>
    %reduce_sum3A_542 = arith.constant dense<0.000000e+00> : vector<64xf32>
    %reduce_sum3A_543 = vector.multi_reduction <add>, %exp3A_539, %reduce_sum3A_542 [1] : vector<64x8xf32> to vector<64xf32>
    %broadcast_in_dim3A_544 = vector.shape_cast %reduce_sum3A_543 : vector<64xf32> to vector<64x1xf32>
    %log3A_545 = math.log %broadcast_in_dim3A_544 : vector<64x1xf32>
    %sub3A_546 = vector.broadcast %log3A_545 : vector<64x1xf32> to vector<64x8xf32>
    %sub3A_547 = arith.subf %sub3A_541, %sub3A_546 : vector<64x8xf32>
    %get3A_548 = arith.constant 0 : index
    %get3A_549 = arith.constant 0 : index
    %get3A_550 = vector.load %arg6[%get3A_548, %get3A_549] : memref<4x16xf32, #tpu.memory_space<vmem>>, vector<4x16xf32>
    %reduce_max3A_551 = arith.constant dense<0xFF800000> : vector<16xf32>
    %reduce_max3A_552 = vector.multi_reduction <maximumf>, %get3A_550, %reduce_max3A_551 [0] : vector<4x16xf32> to vector<16xf32>
    %broadcast_in_dim3A_553 = vector.shape_cast %reduce_max3A_552 : vector<16xf32> to vector<1x16xf32>
    %sub3A_554 = vector.broadcast %broadcast_in_dim3A_553 : vector<1x16xf32> to vector<4x16xf32>
    %sub3A_555 = arith.subf %get3A_550, %sub3A_554 : vector<4x16xf32>
    %exp3A_556 = math.exp %sub3A_555 : vector<4x16xf32>
    %reduce_sum3A_557 = arith.constant dense<0.000000e+00> : vector<16xf32>
    %reduce_sum3A_558 = vector.multi_reduction <add>, %exp3A_556, %reduce_sum3A_557 [0] : vector<4x16xf32> to vector<16xf32>
    %broadcast_in_dim3A_559 = vector.shape_cast %reduce_sum3A_558 : vector<16xf32> to vector<1x16xf32>
    %div3A_560 = vector.broadcast %broadcast_in_dim3A_559 : vector<1x16xf32> to vector<4x16xf32>
    %div3A_561 = arith.divf %exp3A_556, %div3A_560 : vector<4x16xf32>
    %sub3A_562 = vector.broadcast %broadcast_in_dim3A_553 : vector<1x16xf32> to vector<4x16xf32>
    %sub3A_563 = arith.subf %get3A_550, %sub3A_562 : vector<4x16xf32>
    %log3A_564 = math.log %broadcast_in_dim3A_559 : vector<1x16xf32>
    %sub3A_565 = vector.broadcast %log3A_564 : vector<1x16xf32> to vector<4x16xf32>
    %sub3A_566 = arith.subf %sub3A_563, %sub3A_565 : vector<4x16xf32>
    %dot_general3A = arith.constant dense<0.000000e+00> : vector<512x16xf32>
    %dot_general3A_567 = tpu.matmul %convert_element_type3A_340, %div3A_561, %dot_general3A {dimension_numbers = #tpu.dot_dimension_numbers<[1], [0], [0], [1], [0, 0, 1, 1], [], []>, transpose_lhs_hint = false} : vector<512x4xf32>, vector<4x16xf32>, vector<512x16xf32> -> vector<512x16xf32>
    %mul3A = arith.mulf %dot_general3A_567, %convert_element_type3A_367 : vector<512x16xf32>
    %reduce_sum3A_568 = arith.constant dense<0.000000e+00> : vector<512xf32>
    %reduce_sum3A_569 = vector.multi_reduction <add>, %mul3A, %reduce_sum3A_568 [1] : vector<512x16xf32> to vector<512xf32>
    %broadcast_in_dim3A_570 = vector.shape_cast %reduce_sum3A_569 : vector<512xf32> to vector<512x1xf32>
    %mul3A_571 = vector.broadcast %broadcast_in_dim3A_570 : vector<512x1xf32> to vector<512x8xf32>
    %mul3A_572 = arith.mulf %div3A_525, %mul3A_571 : vector<512x8xf32>
    %dot_general3A_573 = arith.constant dense<0.000000e+00> : vector<512x128xf32>
    %dot_general3A_574 = tpu.matmul %mul3A_572, %convert_element_type3A_120, %dot_general3A_573 {dimension_numbers = #tpu.dot_dimension_numbers<[1], [0], [0], [1], [0, 0, 1, 1], [], []>, transpose_lhs_hint = false} : vector<512x8xf32>, vector<8x128xf32>, vector<512x128xf32> -> vector<512x128xf32>
    %mul3A_575 = arith.mulf %dot_general3A_574, %convert_element_type3A_38 : vector<512x128xf32>
    %iota3A_576 = tpu.iota {dimensions = array<i32: 0>} : vector<512x512xi32>
    %iota3A_577 = tpu.iota {dimensions = array<i32: 1>} : vector<512x512xi32>
    %eq3A_578 = arith.cmpi eq, %iota3A_576, %iota3A_577 : vector<512x512xi32>
    %convert_element_type3A_579 = arith.extui %eq3A_578 : vector<512x512xi1> to vector<512x512xi32>
    %convert_element_type3A_580 = arith.sitofp %convert_element_type3A_579 : vector<512x512xi32> to vector<512x512xf32>
    %dot_general3A_581 = arith.constant dense<0.000000e+00> : vector<128x512xf32>
    %dot_general3A_582 = tpu.matmul %mul3A_575, %convert_element_type3A_580, %dot_general3A_581 {dimension_numbers = #tpu.dot_dimension_numbers<[0], [0], [1], [1], [0, 1, 1, 1], [], []>, transpose_lhs_hint = false} : vector<512x128xf32>, vector<512x512xf32>, vector<128x512xf32> -> vector<128x512xf32>
    %get3A_583 = arith.constant 0 : index
    %get3A_584 = arith.constant 0 : index
    %get3A_585 = arith.constant 0 : index
    %get3A_586 = vector.load %arg0[%get3A_583, %get3A_584, %get3A_585] : memref<64x88x128xf32, #tpu.memory_space<vmem>>, vector<64x88x128xf32>
    %reshape3A = vector.shape_cast %get3A_586 : vector<64x88x128xf32> to vector<5632x128xf32>
    %get3A_587 = arith.constant 0 : index
    %get3A_588 = arith.constant 0 : index
    %get3A_589 = vector.load %arg3[%get3A_587, %get3A_588] : memref<4096x128xf32, #tpu.memory_space<vmem>>, vector<4096x128xf32>
    %reshape3A_590 = vector.shape_cast %get3A_589 : vector<4096x128xf32> to vector<1024x512xf32>
    %dot_general3A_591 = arith.constant dense<0.000000e+00> : vector<1024x128xf32>
    %dot_general3A_592 = tpu.matmul %reshape3A_590, %mul3A_575, %dot_general3A_591 {dimension_numbers = #tpu.dot_dimension_numbers<[1], [0], [0], [1], [0, 0, 1, 1], [], []>, transpose_lhs_hint = false} : vector<1024x512xf32>, vector<512x128xf32>, vector<1024x128xf32> -> vector<1024x128xf32>
    %slice3A = vector.extract_strided_slice %reshape3A {offsets = [341, 0], sizes = [1024, 128], strides = [1, 1]} : vector<5632x128xf32> to vector<1024x128xf32>
    %sub3A_593 = vector.broadcast %get3A_512 : vector<1x128xf32> to vector<1024x128xf32>
    %sub3A_594 = arith.subf %slice3A, %sub3A_593 : vector<1024x128xf32>
    %exp3A_595 = math.exp %sub3A_594 : vector<1024x128xf32>
    %div3A_596 = vector.broadcast %get3A_515 : vector<1x128xf32> to vector<1024x128xf32>
    %div3A_597 = arith.divf %exp3A_595, %div3A_596 : vector<1024x128xf32>
    %mul3A_598 = arith.mulf %dot_general3A_592, %div3A_597 : vector<1024x128xf32>
    %dot_general3A_599 = arith.constant dense<0.000000e+00> : vector<1024x128xf32>
    %dot_general3A_600 = tpu.matmul %mul3A_598, %convert_element_type3A_87, %dot_general3A_599 {dimension_numbers = #tpu.dot_dimension_numbers<[1], [0], [0], [1], [0, 0, 1, 1], [], []>, transpose_lhs_hint = false} : vector<1024x128xf32>, vector<128x128xf32>, vector<1024x128xf32> -> vector<1024x128xf32>
    %div3A_601 = arith.divf %mul3A_598, %dot_general3A_600 : vector<1024x128xf32>
    %reshape3A_602 = vector.shape_cast %div3A_601 : vector<1024x128xf32> to vector<256x512xf32>
    %dot_general3A_603 = arith.constant dense<0.000000e+00> : vector<256x128xf32>
    %dot_general3A_604 = tpu.matmul %reshape3A_602, %mul3A_575, %dot_general3A_603 {dimension_numbers = #tpu.dot_dimension_numbers<[1], [0], [0], [1], [0, 0, 1, 1], [], []>, transpose_lhs_hint = false} : vector<256x512xf32>, vector<512x128xf32>, vector<256x128xf32> -> vector<256x128xf32>
    %slice3A_605 = vector.extract_strided_slice %reshape3A {offsets = [85, 0], sizes = [256, 128], strides = [1, 1]} : vector<5632x128xf32> to vector<256x128xf32>
    %sub3A_606 = vector.broadcast %get3A_512 : vector<1x128xf32> to vector<256x128xf32>
    %sub3A_607 = arith.subf %slice3A_605, %sub3A_606 : vector<256x128xf32>
    %exp3A_608 = math.exp %sub3A_607 : vector<256x128xf32>
    %div3A_609 = vector.broadcast %get3A_515 : vector<1x128xf32> to vector<256x128xf32>
    %div3A_610 = arith.divf %exp3A_608, %div3A_609 : vector<256x128xf32>
    %mul3A_611 = arith.mulf %dot_general3A_604, %div3A_610 : vector<256x128xf32>
    %dot_general3A_612 = arith.constant dense<0.000000e+00> : vector<256x128xf32>
    %dot_general3A_613 = tpu.matmul %mul3A_611, %convert_element_type3A_87, %dot_general3A_612 {dimension_numbers = #tpu.dot_dimension_numbers<[1], [0], [0], [1], [0, 0, 1, 1], [], []>, transpose_lhs_hint = false} : vector<256x128xf32>, vector<128x128xf32>, vector<256x128xf32> -> vector<256x128xf32>
    %div3A_614 = arith.divf %mul3A_611, %dot_general3A_613 : vector<256x128xf32>
    %reshape3A_615 = vector.shape_cast %div3A_614 : vector<256x128xf32> to vector<64x512xf32>
    %dot_general3A_616 = arith.constant dense<0.000000e+00> : vector<64x128xf32>
    %dot_general3A_617 = tpu.matmul %reshape3A_615, %mul3A_575, %dot_general3A_616 {dimension_numbers = #tpu.dot_dimension_numbers<[1], [0], [0], [1], [0, 0, 1, 1], [], []>, transpose_lhs_hint = false} : vector<64x512xf32>, vector<512x128xf32>, vector<64x128xf32> -> vector<64x128xf32>
    %slice3A_618 = vector.extract_strided_slice %reshape3A {offsets = [21, 0], sizes = [64, 128], strides = [1, 1]} : vector<5632x128xf32> to vector<64x128xf32>
    %sub3A_619 = vector.broadcast %get3A_512 : vector<1x128xf32> to vector<64x128xf32>
    %sub3A_620 = arith.subf %slice3A_618, %sub3A_619 : vector<64x128xf32>
    %exp3A_621 = math.exp %sub3A_620 : vector<64x128xf32>
    %div3A_622 = vector.broadcast %get3A_515 : vector<1x128xf32> to vector<64x128xf32>
    %div3A_623 = arith.divf %exp3A_621, %div3A_622 : vector<64x128xf32>
    %mul3A_624 = arith.mulf %dot_general3A_617, %div3A_623 : vector<64x128xf32>
    %dot_general3A_625 = arith.constant dense<0.000000e+00> : vector<64x128xf32>
    %dot_general3A_626 = tpu.matmul %mul3A_624, %convert_element_type3A_87, %dot_general3A_625 {dimension_numbers = #tpu.dot_dimension_numbers<[1], [0], [0], [1], [0, 0, 1, 1], [], []>, transpose_lhs_hint = false} : vector<64x128xf32>, vector<128x128xf32>, vector<64x128xf32> -> vector<64x128xf32>
    %div3A_627 = arith.divf %mul3A_624, %dot_general3A_626 : vector<64x128xf32>
    %reshape3A_628 = vector.shape_cast %div3A_627 : vector<64x128xf32> to vector<16x512xf32>
    %dot_general3A_629 = arith.constant dense<0.000000e+00> : vector<16x128xf32>
    %dot_general3A_630 = tpu.matmul %reshape3A_628, %mul3A_575, %dot_general3A_629 {dimension_numbers = #tpu.dot_dimension_numbers<[1], [0], [0], [1], [0, 0, 1, 1], [], []>, transpose_lhs_hint = false} : vector<16x512xf32>, vector<512x128xf32>, vector<16x128xf32> -> vector<16x128xf32>
    %slice3A_631 = vector.extract_strided_slice %reshape3A {offsets = [5, 0], sizes = [16, 128], strides = [1, 1]} : vector<5632x128xf32> to vector<16x128xf32>
    %sub3A_632 = vector.broadcast %get3A_512 : vector<1x128xf32> to vector<16x128xf32>
    %sub3A_633 = arith.subf %slice3A_631, %sub3A_632 : vector<16x128xf32>
    %exp3A_634 = math.exp %sub3A_633 : vector<16x128xf32>
    %div3A_635 = vector.broadcast %get3A_515 : vector<1x128xf32> to vector<16x128xf32>
    %div3A_636 = arith.divf %exp3A_634, %div3A_635 : vector<16x128xf32>
    %mul3A_637 = arith.mulf %dot_general3A_630, %div3A_636 : vector<16x128xf32>
    %dot_general3A_638 = arith.constant dense<0.000000e+00> : vector<16x128xf32>
    %dot_general3A_639 = tpu.matmul %mul3A_637, %convert_element_type3A_87, %dot_general3A_638 {dimension_numbers = #tpu.dot_dimension_numbers<[1], [0], [0], [1], [0, 0, 1, 1], [], []>, transpose_lhs_hint = false} : vector<16x128xf32>, vector<128x128xf32>, vector<16x128xf32> -> vector<16x128xf32>
    %div3A_640 = arith.divf %mul3A_637, %dot_general3A_639 : vector<16x128xf32>
    %reshape3A_641 = vector.shape_cast %div3A_640 : vector<16x128xf32> to vector<4x512xf32>
    %dot_general3A_642 = arith.constant dense<0.000000e+00> : vector<4x128xf32>
    %dot_general3A_643 = tpu.matmul %reshape3A_641, %mul3A_575, %dot_general3A_642 {dimension_numbers = #tpu.dot_dimension_numbers<[1], [0], [0], [1], [0, 0, 1, 1], [], []>, transpose_lhs_hint = false} : vector<4x512xf32>, vector<512x128xf32>, vector<4x128xf32> -> vector<4x128xf32>
    %slice3A_644 = vector.extract_strided_slice %reshape3A {offsets = [1, 0], sizes = [4, 128], strides = [1, 1]} : vector<5632x128xf32> to vector<4x128xf32>
    %sub3A_645 = vector.broadcast %get3A_512 : vector<1x128xf32> to vector<4x128xf32>
    %sub3A_646 = arith.subf %slice3A_644, %sub3A_645 : vector<4x128xf32>
    %exp3A_647 = math.exp %sub3A_646 : vector<4x128xf32>
    %div3A_648 = vector.broadcast %get3A_515 : vector<1x128xf32> to vector<4x128xf32>
    %div3A_649 = arith.divf %exp3A_647, %div3A_648 : vector<4x128xf32>
    %mul3A_650 = arith.mulf %dot_general3A_643, %div3A_649 : vector<4x128xf32>
    %dot_general3A_651 = arith.constant dense<0.000000e+00> : vector<4x128xf32>
    %dot_general3A_652 = tpu.matmul %mul3A_650, %convert_element_type3A_87, %dot_general3A_651 {dimension_numbers = #tpu.dot_dimension_numbers<[1], [0], [0], [1], [0, 0, 1, 1], [], []>, transpose_lhs_hint = false} : vector<4x128xf32>, vector<128x128xf32>, vector<4x128xf32> -> vector<4x128xf32>
    %div3A_653 = arith.divf %mul3A_650, %dot_general3A_652 : vector<4x128xf32>
    %reshape3A_654 = vector.shape_cast %div3A_653 : vector<4x128xf32> to vector<1x512xf32>
    %dot_general3A_655 = arith.constant dense<0.000000e+00> : vector<1x128xf32>
    %dot_general3A_656 = tpu.matmul %reshape3A_654, %mul3A_575, %dot_general3A_655 {dimension_numbers = #tpu.dot_dimension_numbers<[1], [0], [0], [1], [0, 0, 1, 1], [], []>, transpose_lhs_hint = false} : vector<1x512xf32>, vector<512x128xf32>, vector<1x128xf32> -> vector<1x128xf32>
    %slice3A_657 = vector.extract_strided_slice %reshape3A {offsets = [0, 0], sizes = [1, 128], strides = [1, 1]} : vector<5632x128xf32> to vector<1x128xf32>
    %sub3A_658 = arith.subf %slice3A_657, %get3A_512 : vector<1x128xf32>
    %exp3A_659 = math.exp %sub3A_658 : vector<1x128xf32>
    %div3A_660 = arith.divf %exp3A_659, %get3A_515 : vector<1x128xf32>
    %mul3A_661 = arith.mulf %dot_general3A_656, %div3A_660 : vector<1x128xf32>
    %dot_general3A_662 = arith.constant dense<0.000000e+00> : vector<1x128xf32>
    %dot_general3A_663 = tpu.matmul %mul3A_661, %convert_element_type3A_87, %dot_general3A_662 {dimension_numbers = #tpu.dot_dimension_numbers<[1], [0], [0], [1], [0, 0, 1, 1], [], []>, transpose_lhs_hint = false} : vector<1x128xf32>, vector<128x128xf32>, vector<1x128xf32> -> vector<1x128xf32>
    %div3A_664 = arith.divf %mul3A_661, %dot_general3A_663 : vector<1x128xf32>
    %broadcast_in_dim3A_665 = arith.constant 0.000000e+00 : f32
    %broadcast_in_dim3A_666 = vector.broadcast %broadcast_in_dim3A_665 : f32 to vector<128x512xf32>
    %div3A_667 = arith.divf %div3A_664, %dot_general3A_656 : vector<1x128xf32>
    %dot_general3A_668 = arith.constant dense<0.000000e+00> : vector<1x512xf32>
    %dot_general3A_669 = tpu.matmul %div3A_667, %dot_general3A_582, %dot_general3A_668 {dimension_numbers = #tpu.dot_dimension_numbers<[1], [0], [0], [1], [0, 0, 1, 1], [], []>, transpose_lhs_hint = false} : vector<1x128xf32>, vector<128x512xf32>, vector<1x512xf32> -> vector<1x512xf32>
    %reshape3A_670 = vector.shape_cast %div3A_653 : vector<4x128xf32> to vector<1x512xf32>
    %mul3A_671 = arith.mulf %reshape3A_670, %dot_general3A_669 : vector<1x512xf32>
    %reshape3A_672 = vector.shape_cast %mul3A_671 : vector<1x512xf32> to vector<4x128xf32>
    %dot_general3A_673 = arith.constant dense<0.000000e+00> : vector<128x512xf32>
    %dot_general3A_674 = tpu.matmul %div3A_667, %reshape3A_670, %dot_general3A_673 {dimension_numbers = #tpu.dot_dimension_numbers<[0], [0], [1], [1], [0, 1, 1, 1], [], []>, transpose_lhs_hint = false} : vector<1x128xf32>, vector<1x512xf32>, vector<128x512xf32> -> vector<128x512xf32>
    %add3A_675 = arith.addf %broadcast_in_dim3A_666, %dot_general3A_674 : vector<128x512xf32>
    %div3A_676 = arith.divf %reshape3A_672, %dot_general3A_643 : vector<4x128xf32>
    %dot_general3A_677 = arith.constant dense<0.000000e+00> : vector<4x512xf32>
    %dot_general3A_678 = tpu.matmul %div3A_676, %dot_general3A_582, %dot_general3A_677 {dimension_numbers = #tpu.dot_dimension_numbers<[1], [0], [0], [1], [0, 0, 1, 1], [], []>, transpose_lhs_hint = false} : vector<4x128xf32>, vector<128x512xf32>, vector<4x512xf32> -> vector<4x512xf32>
    %reshape3A_679 = vector.shape_cast %div3A_640 : vector<16x128xf32> to vector<4x512xf32>
    %mul3A_680 = arith.mulf %reshape3A_679, %dot_general3A_678 : vector<4x512xf32>
    %reshape3A_681 = vector.shape_cast %mul3A_680 : vector<4x512xf32> to vector<16x128xf32>
    %dot_general3A_682 = arith.constant dense<0.000000e+00> : vector<128x512xf32>
    %dot_general3A_683 = tpu.matmul %div3A_676, %reshape3A_679, %dot_general3A_682 {dimension_numbers = #tpu.dot_dimension_numbers<[0], [0], [1], [1], [0, 1, 1, 1], [], []>, transpose_lhs_hint = false} : vector<4x128xf32>, vector<4x512xf32>, vector<128x512xf32> -> vector<128x512xf32>
    %add3A_684 = arith.addf %add3A_675, %dot_general3A_683 : vector<128x512xf32>
    %div3A_685 = arith.divf %reshape3A_681, %dot_general3A_630 : vector<16x128xf32>
    %dot_general3A_686 = arith.constant dense<0.000000e+00> : vector<16x512xf32>
    %dot_general3A_687 = tpu.matmul %div3A_685, %dot_general3A_582, %dot_general3A_686 {dimension_numbers = #tpu.dot_dimension_numbers<[1], [0], [0], [1], [0, 0, 1, 1], [], []>, transpose_lhs_hint = false} : vector<16x128xf32>, vector<128x512xf32>, vector<16x512xf32> -> vector<16x512xf32>
    %reshape3A_688 = vector.shape_cast %div3A_627 : vector<64x128xf32> to vector<16x512xf32>
    %mul3A_689 = arith.mulf %reshape3A_688, %dot_general3A_687 : vector<16x512xf32>
    %reshape3A_690 = vector.shape_cast %mul3A_689 : vector<16x512xf32> to vector<64x128xf32>
    %dot_general3A_691 = arith.constant dense<0.000000e+00> : vector<128x512xf32>
    %dot_general3A_692 = tpu.matmul %div3A_685, %reshape3A_688, %dot_general3A_691 {dimension_numbers = #tpu.dot_dimension_numbers<[0], [0], [1], [1], [0, 1, 1, 1], [], []>, transpose_lhs_hint = false} : vector<16x128xf32>, vector<16x512xf32>, vector<128x512xf32> -> vector<128x512xf32>
    %add3A_693 = arith.addf %add3A_684, %dot_general3A_692 : vector<128x512xf32>
    %div3A_694 = arith.divf %reshape3A_690, %dot_general3A_617 : vector<64x128xf32>
    %dot_general3A_695 = arith.constant dense<0.000000e+00> : vector<64x512xf32>
    %dot_general3A_696 = tpu.matmul %div3A_694, %dot_general3A_582, %dot_general3A_695 {dimension_numbers = #tpu.dot_dimension_numbers<[1], [0], [0], [1], [0, 0, 1, 1], [], []>, transpose_lhs_hint = false} : vector<64x128xf32>, vector<128x512xf32>, vector<64x512xf32> -> vector<64x512xf32>
    %reshape3A_697 = vector.shape_cast %div3A_614 : vector<256x128xf32> to vector<64x512xf32>
    %mul3A_698 = arith.mulf %reshape3A_697, %dot_general3A_696 : vector<64x512xf32>
    %reshape3A_699 = vector.shape_cast %mul3A_698 : vector<64x512xf32> to vector<256x128xf32>
    %dot_general3A_700 = arith.constant dense<0.000000e+00> : vector<128x512xf32>
    %dot_general3A_701 = tpu.matmul %div3A_694, %reshape3A_697, %dot_general3A_700 {dimension_numbers = #tpu.dot_dimension_numbers<[0], [0], [1], [1], [0, 1, 1, 1], [], []>, transpose_lhs_hint = false} : vector<64x128xf32>, vector<64x512xf32>, vector<128x512xf32> -> vector<128x512xf32>
    %add3A_702 = arith.addf %add3A_693, %dot_general3A_701 : vector<128x512xf32>
    %div3A_703 = arith.divf %reshape3A_699, %dot_general3A_604 : vector<256x128xf32>
    %dot_general3A_704 = arith.constant dense<0.000000e+00> : vector<256x512xf32>
    %dot_general3A_705 = tpu.matmul %div3A_703, %dot_general3A_582, %dot_general3A_704 {dimension_numbers = #tpu.dot_dimension_numbers<[1], [0], [0], [1], [0, 0, 1, 1], [], []>, transpose_lhs_hint = false} : vector<256x128xf32>, vector<128x512xf32>, vector<256x512xf32> -> vector<256x512xf32>
    %reshape3A_706 = vector.shape_cast %div3A_601 : vector<1024x128xf32> to vector<256x512xf32>
    %mul3A_707 = arith.mulf %reshape3A_706, %dot_general3A_705 : vector<256x512xf32>
    %reshape3A_708 = vector.shape_cast %mul3A_707 : vector<256x512xf32> to vector<1024x128xf32>
    %dot_general3A_709 = arith.constant dense<0.000000e+00> : vector<128x512xf32>
    %dot_general3A_710 = tpu.matmul %div3A_703, %reshape3A_706, %dot_general3A_709 {dimension_numbers = #tpu.dot_dimension_numbers<[0], [0], [1], [1], [0, 1, 1, 1], [], []>, transpose_lhs_hint = false} : vector<256x128xf32>, vector<256x512xf32>, vector<128x512xf32> -> vector<128x512xf32>
    %add3A_711 = arith.addf %add3A_702, %dot_general3A_710 : vector<128x512xf32>
    %div3A_712 = arith.divf %reshape3A_708, %dot_general3A_592 : vector<1024x128xf32>
    %dot_general3A_713 = arith.constant dense<0.000000e+00> : vector<1024x512xf32>
    %dot_general3A_714 = tpu.matmul %div3A_712, %dot_general3A_582, %dot_general3A_713 {dimension_numbers = #tpu.dot_dimension_numbers<[1], [0], [0], [1], [0, 0, 1, 1], [], []>, transpose_lhs_hint = false} : vector<1024x128xf32>, vector<128x512xf32>, vector<1024x512xf32> -> vector<1024x512xf32>
    %reshape3A_715 = vector.shape_cast %get3A_589 : vector<4096x128xf32> to vector<1024x512xf32>
    %mul3A_716 = arith.mulf %reshape3A_715, %dot_general3A_714 : vector<1024x512xf32>
    %reshape3A_717 = vector.shape_cast %mul3A_716 : vector<1024x512xf32> to vector<4096x128xf32>
    %dot_general3A_718 = arith.constant dense<0.000000e+00> : vector<128x512xf32>
    %dot_general3A_719 = tpu.matmul %div3A_712, %reshape3A_715, %dot_general3A_718 {dimension_numbers = #tpu.dot_dimension_numbers<[0], [0], [1], [1], [0, 1, 1, 1], [], []>, transpose_lhs_hint = false} : vector<1024x128xf32>, vector<1024x512xf32>, vector<128x512xf32> -> vector<128x512xf32>
    %add3A_720 = arith.addf %add3A_711, %dot_general3A_719 : vector<128x512xf32>
    %mul3A_721 = arith.mulf %add3A_720, %convert_element_type3A_443 : vector<128x512xf32>
    %dot_general3A_722 = arith.constant dense<0.000000e+00> : vector<128x32xf32>
    %dot_general3A_723 = tpu.matmul %mul3A_721, %convert_element_type3A_241, %dot_general3A_722 {dimension_numbers = #tpu.dot_dimension_numbers<[1], [0], [0], [1], [0, 0, 1, 1], [], []>, transpose_lhs_hint = false} : vector<128x512xf32>, vector<512x32xf32>, vector<128x32xf32> -> vector<128x32xf32>
    %dot_general3A_724 = arith.constant dense<0.000000e+00> : vector<128x32xf32>
    %dot_general3A_725 = tpu.matmul %dot_general3A_582, %convert_element_type3A_241, %dot_general3A_724 {dimension_numbers = #tpu.dot_dimension_numbers<[1], [0], [0], [1], [0, 0, 1, 1], [], []>, transpose_lhs_hint = false} : vector<128x512xf32>, vector<512x32xf32>, vector<128x32xf32> -> vector<128x32xf32>
    %mul3A_726 = arith.mulf %dot_general3A_723, %dot_general3A_725 : vector<128x32xf32>
    %dot_general3A_727 = arith.constant dense<0.000000e+00> : vector<512x128xf32>
    %dot_general3A_728 = tpu.matmul %sub3A_530, %convert_element_type3A_120, %dot_general3A_727 {dimension_numbers = #tpu.dot_dimension_numbers<[1], [0], [0], [1], [0, 0, 1, 1], [], []>, transpose_lhs_hint = false} : vector<512x8xf32>, vector<8x128xf32>, vector<512x128xf32> -> vector<512x128xf32>
    %mul3A_729 = arith.mulf %dot_general3A_728, %convert_element_type3A_38 : vector<512x128xf32>
    %iota3A_730 = tpu.iota {dimensions = array<i32: 0>} : vector<512x512xi32>
    %iota3A_731 = tpu.iota {dimensions = array<i32: 1>} : vector<512x512xi32>
    %eq3A_732 = arith.cmpi eq, %iota3A_730, %iota3A_731 : vector<512x512xi32>
    %convert_element_type3A_733 = arith.extui %eq3A_732 : vector<512x512xi1> to vector<512x512xi32>
    %convert_element_type3A_734 = arith.sitofp %convert_element_type3A_733 : vector<512x512xi32> to vector<512x512xf32>
    %dot_general3A_735 = arith.constant dense<0.000000e+00> : vector<128x512xf32>
    %dot_general3A_736 = tpu.matmul %mul3A_729, %convert_element_type3A_734, %dot_general3A_735 {dimension_numbers = #tpu.dot_dimension_numbers<[0], [0], [1], [1], [0, 1, 1, 1], [], []>, transpose_lhs_hint = false} : vector<512x128xf32>, vector<512x512xf32>, vector<128x512xf32> -> vector<128x512xf32>
    %dot_general3A_737 = arith.constant dense<0.000000e+00> : vector<128x32xf32>
    %dot_general3A_738 = tpu.matmul %dot_general3A_736, %convert_element_type3A_241, %dot_general3A_737 {dimension_numbers = #tpu.dot_dimension_numbers<[1], [0], [0], [1], [0, 0, 1, 1], [], []>, transpose_lhs_hint = false} : vector<128x512xf32>, vector<512x32xf32>, vector<128x32xf32> -> vector<128x32xf32>
    %mul3A_739 = arith.mulf %mul3A_726, %dot_general3A_738 : vector<128x32xf32>
    %dot_general3A_740 = arith.constant dense<0.000000e+00> : vector<128x32xf32>
    %dot_general3A_741 = tpu.matmul %convert_element_type3A_87, %mul3A_739, %dot_general3A_740 {dimension_numbers = #tpu.dot_dimension_numbers<[1], [0], [0], [1], [0, 0, 1, 1], [], []>, transpose_lhs_hint = false} : vector<128x128xf32>, vector<128x32xf32>, vector<128x32xf32> -> vector<128x32xf32>
    %dot_general3A_742 = arith.constant dense<0.000000e+00> : vector<128x32xf32>
    %dot_general3A_743 = tpu.matmul %dot_general3A_741, %convert_element_type3A_510, %dot_general3A_742 {dimension_numbers = #tpu.dot_dimension_numbers<[1], [0], [0], [1], [0, 0, 1, 1], [], []>, transpose_lhs_hint = false} : vector<128x32xf32>, vector<32x32xf32>, vector<128x32xf32> -> vector<128x32xf32>
    %iota3A_744 = tpu.iota {dimensions = array<i32: 0>} : vector<4x4xi32>
    %iota3A_745 = tpu.iota {dimensions = array<i32: 1>} : vector<4x4xi32>
    %eq3A_746 = arith.cmpi eq, %iota3A_744, %iota3A_745 : vector<4x4xi32>
    %convert_element_type3A_747 = arith.extui %eq3A_746 : vector<4x4xi1> to vector<4x4xi32>
    %convert_element_type3A_748 = arith.sitofp %convert_element_type3A_747 : vector<4x4xi32> to vector<4x4xf32>
    %dot_general3A_749 = arith.constant dense<0.000000e+00> : vector<16x4xf32>
    %dot_general3A_750 = tpu.matmul %sub3A_566, %convert_element_type3A_748, %dot_general3A_749 {dimension_numbers = #tpu.dot_dimension_numbers<[0], [0], [1], [1], [0, 1, 1, 1], [], []>, transpose_lhs_hint = false} : vector<4x16xf32>, vector<4x4xf32>, vector<16x4xf32> -> vector<16x4xf32>
    %dot_general3A_751 = arith.constant dense<0.000000e+00> : vector<128x4xf32>
    %dot_general3A_752 = tpu.matmul %convert_element_type3A_268, %dot_general3A_750, %dot_general3A_751 {dimension_numbers = #tpu.dot_dimension_numbers<[1], [0], [0], [1], [0, 0, 1, 1], [], []>, transpose_lhs_hint = false} : vector<128x16xf32>, vector<16x4xf32>, vector<128x4xf32> -> vector<128x4xf32>
    %dot_general3A_753 = arith.constant dense<0.000000e+00> : vector<128x32xf32>
    %dot_general3A_754 = tpu.matmul %dot_general3A_752, %convert_element_type3A_304, %dot_general3A_753 {dimension_numbers = #tpu.dot_dimension_numbers<[1], [0], [0], [1], [0, 0, 1, 1], [], []>, transpose_lhs_hint = false} : vector<128x4xf32>, vector<4x32xf32>, vector<128x32xf32> -> vector<128x32xf32>
    %mul3A_755 = arith.mulf %mul3A_726, %dot_general3A_754 : vector<128x32xf32>
    %broadcast_in_dim3A_756 = arith.constant 0.000000e+00 : f32
    %broadcast_in_dim3A_757 = vector.broadcast %broadcast_in_dim3A_756 : f32 to vector<1x128xf32>
    %slice3A_758 = vector.extract_strided_slice %reshape3A {offsets = [0, 0], sizes = [1, 128], strides = [1, 1]} : vector<5632x128xf32> to vector<1x128xf32>
    %sub3A_759 = arith.subf %slice3A_758, %get3A_512 : vector<1x128xf32>
    %sub3A_760 = arith.subf %sub3A_759, %log3A : vector<1x128xf32>
    %mul3A_761 = arith.mulf %div3A_664, %sub3A_760 : vector<1x128xf32>
    %reduce_sum3A_762 = arith.constant dense<0.000000e+00> : vector<128xf32>
    %reduce_sum3A_763 = vector.multi_reduction <add>, %mul3A_761, %reduce_sum3A_762 [0] : vector<1x128xf32> to vector<128xf32>
    %broadcast_in_dim3A_764 = vector.shape_cast %reduce_sum3A_763 : vector<128xf32> to vector<1x128xf32>
    %add3A_765 = arith.addf %broadcast_in_dim3A_757, %broadcast_in_dim3A_764 : vector<1x128xf32>
    %slice3A_766 = vector.extract_strided_slice %reshape3A {offsets = [1, 0], sizes = [4, 128], strides = [1, 1]} : vector<5632x128xf32> to vector<4x128xf32>
    %sub3A_767 = vector.broadcast %get3A_512 : vector<1x128xf32> to vector<4x128xf32>
    %sub3A_768 = arith.subf %slice3A_766, %sub3A_767 : vector<4x128xf32>
    %sub3A_769 = vector.broadcast %log3A : vector<1x128xf32> to vector<4x128xf32>
    %sub3A_770 = arith.subf %sub3A_768, %sub3A_769 : vector<4x128xf32>
    %mul3A_771 = arith.mulf %reshape3A_672, %sub3A_770 : vector<4x128xf32>
    %reduce_sum3A_772 = arith.constant dense<0.000000e+00> : vector<128xf32>
    %reduce_sum3A_773 = vector.multi_reduction <add>, %mul3A_771, %reduce_sum3A_772 [0] : vector<4x128xf32> to vector<128xf32>
    %broadcast_in_dim3A_774 = vector.shape_cast %reduce_sum3A_773 : vector<128xf32> to vector<1x128xf32>
    %add3A_775 = arith.addf %add3A_765, %broadcast_in_dim3A_774 : vector<1x128xf32>
    %slice3A_776 = vector.extract_strided_slice %reshape3A {offsets = [5, 0], sizes = [16, 128], strides = [1, 1]} : vector<5632x128xf32> to vector<16x128xf32>
    %sub3A_777 = vector.broadcast %get3A_512 : vector<1x128xf32> to vector<16x128xf32>
    %sub3A_778 = arith.subf %slice3A_776, %sub3A_777 : vector<16x128xf32>
    %sub3A_779 = vector.broadcast %log3A : vector<1x128xf32> to vector<16x128xf32>
    %sub3A_780 = arith.subf %sub3A_778, %sub3A_779 : vector<16x128xf32>
    %mul3A_781 = arith.mulf %reshape3A_681, %sub3A_780 : vector<16x128xf32>
    %reduce_sum3A_782 = arith.constant dense<0.000000e+00> : vector<128xf32>
    %reduce_sum3A_783 = vector.multi_reduction <add>, %mul3A_781, %reduce_sum3A_782 [0] : vector<16x128xf32> to vector<128xf32>
    %broadcast_in_dim3A_784 = vector.shape_cast %reduce_sum3A_783 : vector<128xf32> to vector<1x128xf32>
    %add3A_785 = arith.addf %add3A_775, %broadcast_in_dim3A_784 : vector<1x128xf32>
    %slice3A_786 = vector.extract_strided_slice %reshape3A {offsets = [21, 0], sizes = [64, 128], strides = [1, 1]} : vector<5632x128xf32> to vector<64x128xf32>
    %sub3A_787 = vector.broadcast %get3A_512 : vector<1x128xf32> to vector<64x128xf32>
    %sub3A_788 = arith.subf %slice3A_786, %sub3A_787 : vector<64x128xf32>
    %sub3A_789 = vector.broadcast %log3A : vector<1x128xf32> to vector<64x128xf32>
    %sub3A_790 = arith.subf %sub3A_788, %sub3A_789 : vector<64x128xf32>
    %mul3A_791 = arith.mulf %reshape3A_690, %sub3A_790 : vector<64x128xf32>
    %reduce_sum3A_792 = arith.constant dense<0.000000e+00> : vector<128xf32>
    %reduce_sum3A_793 = vector.multi_reduction <add>, %mul3A_791, %reduce_sum3A_792 [0] : vector<64x128xf32> to vector<128xf32>
    %broadcast_in_dim3A_794 = vector.shape_cast %reduce_sum3A_793 : vector<128xf32> to vector<1x128xf32>
    %add3A_795 = arith.addf %add3A_785, %broadcast_in_dim3A_794 : vector<1x128xf32>
    %slice3A_796 = vector.extract_strided_slice %reshape3A {offsets = [85, 0], sizes = [256, 128], strides = [1, 1]} : vector<5632x128xf32> to vector<256x128xf32>
    %sub3A_797 = vector.broadcast %get3A_512 : vector<1x128xf32> to vector<256x128xf32>
    %sub3A_798 = arith.subf %slice3A_796, %sub3A_797 : vector<256x128xf32>
    %sub3A_799 = vector.broadcast %log3A : vector<1x128xf32> to vector<256x128xf32>
    %sub3A_800 = arith.subf %sub3A_798, %sub3A_799 : vector<256x128xf32>
    %mul3A_801 = arith.mulf %reshape3A_699, %sub3A_800 : vector<256x128xf32>
    %reduce_sum3A_802 = arith.constant dense<0.000000e+00> : vector<128xf32>
    %reduce_sum3A_803 = vector.multi_reduction <add>, %mul3A_801, %reduce_sum3A_802 [0] : vector<256x128xf32> to vector<128xf32>
    %broadcast_in_dim3A_804 = vector.shape_cast %reduce_sum3A_803 : vector<128xf32> to vector<1x128xf32>
    %add3A_805 = arith.addf %add3A_795, %broadcast_in_dim3A_804 : vector<1x128xf32>
    %slice3A_806 = vector.extract_strided_slice %reshape3A {offsets = [341, 0], sizes = [1024, 128], strides = [1, 1]} : vector<5632x128xf32> to vector<1024x128xf32>
    %sub3A_807 = vector.broadcast %get3A_512 : vector<1x128xf32> to vector<1024x128xf32>
    %sub3A_808 = arith.subf %slice3A_806, %sub3A_807 : vector<1024x128xf32>
    %sub3A_809 = vector.broadcast %log3A : vector<1x128xf32> to vector<1024x128xf32>
    %sub3A_810 = arith.subf %sub3A_808, %sub3A_809 : vector<1024x128xf32>
    %mul3A_811 = arith.mulf %reshape3A_708, %sub3A_810 : vector<1024x128xf32>
    %reduce_sum3A_812 = arith.constant dense<0.000000e+00> : vector<128xf32>
    %reduce_sum3A_813 = vector.multi_reduction <add>, %mul3A_811, %reduce_sum3A_812 [0] : vector<1024x128xf32> to vector<128xf32>
    %broadcast_in_dim3A_814 = vector.shape_cast %reduce_sum3A_813 : vector<128xf32> to vector<1x128xf32>
    %add3A_815 = arith.addf %add3A_805, %broadcast_in_dim3A_814 : vector<1x128xf32>
    %slice3A_816 = vector.extract_strided_slice %reshape3A {offsets = [1365, 0], sizes = [4096, 128], strides = [1, 1]} : vector<5632x128xf32> to vector<4096x128xf32>
    %sub3A_817 = vector.broadcast %get3A_512 : vector<1x128xf32> to vector<4096x128xf32>
    %sub3A_818 = arith.subf %slice3A_816, %sub3A_817 : vector<4096x128xf32>
    %sub3A_819 = vector.broadcast %log3A : vector<1x128xf32> to vector<4096x128xf32>
    %sub3A_820 = arith.subf %sub3A_818, %sub3A_819 : vector<4096x128xf32>
    %mul3A_821 = arith.mulf %reshape3A_717, %sub3A_820 : vector<4096x128xf32>
    %reduce_sum3A_822 = arith.constant dense<0.000000e+00> : vector<128xf32>
    %reduce_sum3A_823 = vector.multi_reduction <add>, %mul3A_821, %reduce_sum3A_822 [0] : vector<4096x128xf32> to vector<128xf32>
    %broadcast_in_dim3A_824 = vector.shape_cast %reduce_sum3A_823 : vector<128xf32> to vector<1x128xf32>
    %add3A_825 = arith.addf %add3A_815, %broadcast_in_dim3A_824 : vector<1x128xf32>
    %dot_general3A_826 = arith.constant dense<0.000000e+00> : vector<1x128xf32>
    %dot_general3A_827 = tpu.matmul %add3A_825, %convert_element_type3A_87, %dot_general3A_826 {dimension_numbers = #tpu.dot_dimension_numbers<[1], [0], [0], [1], [0, 0, 1, 1], [], []>, transpose_lhs_hint = false} : vector<1x128xf32>, vector<128x128xf32>, vector<1x128xf32> -> vector<1x128xf32>
    %dot_general3A_828 = arith.constant dense<0.000000e+00> : vector<64x128xf32>
    %dot_general3A_829 = tpu.matmul %sub3A_547, %convert_element_type3A_120, %dot_general3A_828 {dimension_numbers = #tpu.dot_dimension_numbers<[1], [0], [0], [1], [0, 0, 1, 1], [], []>, transpose_lhs_hint = false} : vector<64x8xf32>, vector<8x128xf32>, vector<64x128xf32> -> vector<64x128xf32>
    %mul3A_830 = arith.mulf %dot_general3A_829, %convert_element_type3A_169 : vector<64x128xf32>
    %dot_general3A_831 = arith.constant dense<0.000000e+00> : vector<4x128xf32>
    %dot_general3A_832 = tpu.matmul %convert_element_type3A_205, %mul3A_830, %dot_general3A_831 {dimension_numbers = #tpu.dot_dimension_numbers<[1], [0], [0], [1], [0, 0, 1, 1], [], []>, transpose_lhs_hint = false} : vector<4x64xf32>, vector<64x128xf32>, vector<4x128xf32> -> vector<4x128xf32>
    %reshape3A_833 = vector.shape_cast %dot_general3A_832 : vector<4x128xf32> to vector<1x512xf32>
    %mul3A_834 = vector.broadcast %reshape3A_833 : vector<1x512xf32> to vector<1024x512xf32>
    %mul3A_835 = arith.mulf %mul3A_716, %mul3A_834 : vector<1024x512xf32>
    %reduce_sum3A_836 = arith.constant dense<0.000000e+00> : vector<512xf32>
    %reduce_sum3A_837 = vector.multi_reduction <add>, %mul3A_835, %reduce_sum3A_836 [0] : vector<1024x512xf32> to vector<512xf32>
    %broadcast_in_dim3A_838 = vector.shape_cast %reduce_sum3A_837 : vector<512xf32> to vector<1x512xf32>
    %dot_general3A_839 = arith.constant dense<0.000000e+00> : vector<1x128xf32>
    %dot_general3A_840 = tpu.matmul %broadcast_in_dim3A_838, %convert_element_type3A_394, %dot_general3A_839 {dimension_numbers = #tpu.dot_dimension_numbers<[1], [0], [0], [1], [0, 0, 1, 1], [], []>, transpose_lhs_hint = false} : vector<1x512xf32>, vector<512x128xf32>, vector<1x128xf32> -> vector<1x128xf32>
    %dot_general3A_841 = arith.constant dense<0.000000e+00> : vector<1x128xf32>
    %dot_general3A_842 = tpu.matmul %dot_general3A_840, %convert_element_type3A_87, %dot_general3A_841 {dimension_numbers = #tpu.dot_dimension_numbers<[1], [0], [0], [1], [0, 0, 1, 1], [], []>, transpose_lhs_hint = false} : vector<1x128xf32>, vector<128x128xf32>, vector<1x128xf32> -> vector<1x128xf32>
    %add3A_843 = arith.addf %dot_general3A_827, %dot_general3A_842 : vector<1x128xf32>
    %iota3A_844 = tpu.iota {dimensions = array<i32: 0>} : vector<1x1xi32>
    %iota3A_845 = tpu.iota {dimensions = array<i32: 1>} : vector<1x1xi32>
    %eq3A_846 = arith.cmpi eq, %iota3A_844, %iota3A_845 : vector<1x1xi32>
    %convert_element_type3A_847 = arith.extui %eq3A_846 : vector<1x1xi1> to vector<1x1xi32>
    %convert_element_type3A_848 = arith.sitofp %convert_element_type3A_847 : vector<1x1xi32> to vector<1x1xf32>
    %dot_general3A_849 = arith.constant dense<0.000000e+00> : vector<128x1xf32>
    %dot_general3A_850 = tpu.matmul %add3A_843, %convert_element_type3A_848, %dot_general3A_849 {dimension_numbers = #tpu.dot_dimension_numbers<[0], [0], [1], [1], [0, 1, 1, 1], [], []>, transpose_lhs_hint = false} : vector<1x128xf32>, vector<1x1xf32>, vector<128x1xf32> -> vector<128x1xf32>
    %add3A_851 = arith.addf %dot_general3A_743, %mul3A_755 : vector<128x32xf32>
    %neg3A = arith.constant 0.000000e+00 : f32
    %neg3A_852 = vector.broadcast %neg3A : f32 to vector<128x32xf32>
    %neg3A_853 = arith.subf %neg3A_852, %add3A_851 : vector<128x32xf32>
    %sub3A_854 = vector.broadcast %dot_general3A_850 : vector<128x1xf32> to vector<128x32xf32>
    %sub3A_855 = arith.subf %neg3A_853, %sub3A_854 : vector<128x32xf32>
    %swap3A = arith.constant 0 : index
    %swap3A_856 = arith.constant 0 : index
    %swap3A_857 = vector.load %arg7[%swap3A, %swap3A_856] : memref<128x32xf32, #tpu.memory_space<vmem>>, vector<128x32xf32>
    tpu.vector_store %arg7[%swap3A, %swap3A_856], %sub3A_855 {strides = array<i32>} : memref<128x32xf32, #tpu.memory_space<vmem>>, vector<128x32xf32>,
    return
  }
}

</mosaic_0001>

<sc_bundles>
// kernel: kernel.5.cloned.1.call-start
scs
__scs_entry_jumppad:
0x0: {  	(pc) =	sbr.rel $0x88, $3  }
0x1: {  	(tag) =	ssettag $0x0;
	lr =	simm.s32 $0x1  }
0x2: {  	[smem:$0x3F9C] =	sst lr;
	_ =	strace $0xD0000000  }
0x3: {  	_ = 	snop  }
0x4: {  	_ = 	snop  }
0x5: {  	_ = 	snop  }
0x6: {  	_ = 	snop  }
0x7: {  	_ = 	snop  }
__scs_overlays_trampoline_lowered:
0x8: {  	[smem:$0x3FAB] =	sst s0  }
0x9: {  	[smem:$0x3FAC] =	sst s1  }
0xa: {  	[smem:$0x3FAD] =	sst s2  }
0xb: {  	[smem:$0x3FAE] =	sst s3  }
0xc: {  	[smem:$0x3FAF] =	sst s4  }
0xd: {  	[smem:$0x3FB0] =	sst s5  }
0xe: {  	[smem:$0x3FB1] =	sst s6  }
0xf: {  	[smem:$0x3FB2] =	sst s7  }
0x10: {  	[smem:$0x3FB3] =	sst s8  }
0x11: {  	[smem:$0x3FB4] =	sst s9;
	s0 =	simm.s32 @!p0 $0x0  }
0x12: {  	s1 =	sld [smem:$0x3F9A];
	s0 =	simm.s32 @p0 $0x1  }
0x13: {  	[smem:$0x3FB5] =	sst s0;
	s0 =	simm.s32 @!p1 $0x0  }
0x14: {  	s2 =	sld [smem:$0x3F99];
	s0 =	simm.s32 @p1 $0x1  }
0x15: {  	[smem:$0x3FB6] =	sst s0;
	s0 =	simm.s32 @!p2 $0x0  }
0x16: {  	s3 =	sld [smem:$0x3FDB];
	s0 =	simm.s32 @p2 $0x1  }
0x17: {  	s4 =	simm.s32 $0x1BF5;
	[smem:$0x3FB8] =	sst s0  }
0x18: {  	s0 =	sld [smem:$0x3F9B];
	_ =	swait.ge [sflag:s4], $0x0  }
0x19: {  	s7 =	sld [smem:$0x3F9C]  }
0x1a: {  	s8 =	sadd.s32 $0xFFFFE003, lr  }
0x1b: {  	s9 =	sadd.s32 $0xFFFFFEF7, lr;
	s5 =	simm.s32 $0xFFFFFFFF;
	p2 =	slt.u32 s8, $0xFFFFF086  }
0x1c: {  	p1 =	slt.u32 s9, $0xF7A;
	s5 =	simm.s32 @!p2 $0x0  }
0x1d: {  	s5 =	simm.s32 @p1 $0x1;
	p0 =	seq.s32 s7, s2  }
0x1e: {  	s7 =	smul.u32 @!p0 $0xF7A, s2;
	p2 =	seq.s32 @!p0 s5, $0x0  }
0x1f: {  	s9 =	smul.u32 $0xF7A, s1;
	s8 =	simm.s32 @!p0 $0x1BF5;
	p2 =	por !p2, p0  }
0x20: {  	[sflag:s8] =	ssyncset.s32 @!p0 $0xFFFFF086;
	s6 =	sadd.s32 @!p0 s3, s7;
	s7 =	simm.s32 @!p0 $0x108  }
0x21: {  	s3 =	sadd.s32 s3, s9;
	s6 =	sadd.s32 @!p0 $0x88, s6;
	s7 =	simm.s32 @p2 $0x1082  }
0x22: {  	[simem:s7], [sflag:s8] =	dma.local @!p0 [hbm:s6], $0xF7A  }
0x23: {  	s9 =	sor.u32 $0xD0000000, s2;
	s6 =	simm.s32 $0x108;
	_ =	swait.ge @!p0 [sflag:s8], $0x0  }
0x24: {  	s3 =	sadd.s32 $0x88, s3;
	s6 =	simm.s32 @!p1 $0x1082;
	[sflag:s4] =	ssyncset.s32 $0xFFFFF086  }
0x25: {  	[simem:s6], [sflag:s4] =	dma.local [hbm:s3], $0xF7A  }
0x26: {  	[smem:$0x3F9C] =	sst s1;
	(tag) =	ssettag s2;
	_ =	strace s9  }
0x27: {  	s1 =	sld [smem:$0x3FAC]  }
0x28: {  	s2 =	sld [smem:$0x3FAD]  }
0x29: {  	s4 =	sld [smem:$0x3FAF]  }
0x2a: {  	p0 =	seq.s32 s5, $0x0;
	s5 =	sld [smem:$0x3FB0]  }
0x2b: {  	s6 =	sld [smem:$0x3FB1]  }
0x2c: {  	s7 =	sld [smem:$0x3FB2]  }
0x2d: {  	s3 =	simm.s32 $0x108;
	s8 =	sld [smem:$0x3FB3]  }
0x2e: {  	s3 =	simm.s32 @!p0 $0x1082;
	s9 =	sld [smem:$0x3FB4]  }
0x2f: {  	lr =	sadd.s32 s0, s3;
	s0 =	sld [smem:$0x3FAB]  }
0x30: {  	s3 =	sld [smem:$0x3FAE]  }
0x31: {  	[smem:$0x3FB7] =	sst s10  }
0x32: {  	s10 =	sld [smem:$0x3FB5];
	_ =	sdelay $0x3  }
0x33: {  	p0 =	seq.s32 s10, $0x1;
	s10 =	sld [smem:$0x3FB7];
	_ =	sdelay $0x3  }
0x34: {  	[smem:$0x3FB7] =	sst s10  }
0x35: {  	s10 =	sld [smem:$0x3FB6];
	_ =	sdelay $0x3  }
0x36: {  	p1 =	seq.s32 s10, $0x1;
	s10 =	sld [smem:$0x3FB7];
	_ =	sdelay $0x3  }
0x37: {  	[smem:$0x3FB7] =	sst s10  }
0x38: {  	s10 =	sld [smem:$0x3FB8]  }
0x39: {  	_ = 	snop;
	(pc) =	sbr.ind lr, $3  }
0x3a: {  	_ = 	snop  }
0x3b: {  	_ = 	snop  }
0x3c: {  	p2 =	seq.s32 s10, $0x1;
	s10 =	sld [smem:$0x3FB7]  }
0x3d: {  	_ =	shalt  }
0x3e: {  	_ =	shalt  }
0x3f: {  	_ =	shalt  }
0x40: {  	_ =	shalt  }
0x41: {  	_ =	shalt  }
0x42: {  	_ =	shalt  }
0x43: {  	_ =	shalt  }
0x44: {  	_ =	shalt  }
0x45: {  	_ =	shalt  }
0x46: {  	_ =	shalt  }
0x47: {  	_ =	shalt  }
0x48: {  	_ =	shalt  }
0x49: {  	_ =	shalt  }
0x4a: {  	_ =	shalt  }
0x4b: {  	_ =	shalt  }
0x4c: {  	_ =	shalt  }
0x4d: {  	_ =	shalt  }
0x4e: {  	_ =	shalt  }
0x4f: {  	_ =	shalt  }
0x50: {  	_ =	shalt  }
0x51: {  	_ =	shalt  }
0x52: {  	_ =	shalt  }
0x53: {  	_ =	shalt  }
0x54: {  	_ =	shalt  }
0x55: {  	_ =	shalt  }
0x56: {  	_ =	shalt  }
0x57: {  	_ =	shalt  }
0x58: {  	_ =	shalt  }
0x59: {  	_ =	shalt  }
0x5a: {  	_ =	shalt  }
0x5b: {  	_ =	shalt  }
0x5c: {  	_ =	shalt  }
0x5d: {  	_ =	shalt  }
0x5e: {  	_ =	shalt  }
0x5f: {  	_ =	shalt  }
0x60: {  	_ =	shalt  }
0x61: {  	_ =	shalt  }
0x62: {  	_ =	shalt  }
0x63: {  	_ =	shalt  }
0x64: {  	_ =	shalt  }
0x65: {  	_ =	shalt  }
0x66: {  	_ =	shalt  }
0x67: {  	_ =	shalt  }
0x68: {  	_ =	shalt  }
0x69: {  	_ =	shalt  }
0x6a: {  	_ =	shalt  }
0x6b: {  	_ =	shalt  }
0x6c: {  	_ =	shalt  }
0x6d: {  	_ =	shalt  }
0x6e: {  	_ =	shalt  }
0x6f: {  	_ =	shalt  }
0x70: {  	_ =	shalt  }
0x71: {  	_ =	shalt  }
0x72: {  	_ =	shalt  }
0x73: {  	_ =	shalt  }
0x74: {  	_ =	shalt  }
0x75: {  	_ =	shalt  }
0x76: {  	_ =	shalt  }
0x77: {  	_ =	shalt  }
0x78: {  	_ =	shalt  }
0x79: {  	_ =	shalt  }
0x7a: {  	_ =	shalt  }
0x7b: {  	_ =	shalt  }
0x7c: {  	_ =	shalt  }
0x7d: {  	_ =	shalt  }
0x7e: {  	_ =	shalt  }
0x7f: {  	_ =	shalt  }
0x80: {  	_ =	shalt  }
0x81: {  	_ =	shalt  }
0x82: {  	_ =	shalt  }
0x83: {  	_ =	shalt  }
0x84: {  	_ =	shalt  }
0x85: {  	_ =	shalt  }
0x86: {  	_ =	shalt  }
0x87: {  	_ =	shalt  }
.Lfunc_end0:
.L_simem_size_0:
called_computation_lowered:
.L_overlay_start_0:
0x88: {  	s2 =	sld [smem:$0x3FD9]  }
0x89: {  	s3 =	sld [smem:$0x3FFE];
	_ =	sdelay $0x1  }
0x8a: {  	s1 =	srdreg.scid  }
0x8b: {  	s0 =	sand.u32 $0x1, s1  }
0x8c: {  	s17 =	sshll.u32 s0, $0xA;
	s2 =	sadd.s32 s3, s2  }
0x8d: {  	s2 =	sadd.s32 s2, s17  }
0x8e: {  	[smem:$0x3FC3] =	sst s2  }
0x8f: {  	_ = 	snop  }
0x90: {  	s2 =	sld [smem:$0x3FD0];
	(tm) =	ssettm $0x1  }
0x91: {  	s18 =	sld [smem:$0x3FFB];
	_ =	sdelay $0x3  }
0x92: {  	_ =	strace s18  }
0x93: {  	s3 =	sld [smem:$0x3FFC];
	_ =	sdelay $0x3  }
0x94: {  	_ =	strace s3  }
0x95: {  	s3 =	sld [smem:$0x3FFD];
	_ =	sdelay $0x3  }
0x96: {  	_ =	strace s3  }
0x97: {  	_ =	strace $0x8FFFFFFF  }
0x98: {  	s19 =	sld [smem:$0x3FDB];
	_ =	sdelay $0x1  }
0x99: {  	s4 =	simm.s32 $_scs_section_size  }
0x9a: {  	s5 =	simm.s32 $_size__tile_overlayer_lowered;
	s6 =	simm.s32 $_tile_overlayer_lowered  }
0x9b: {  	s22 =	simm.s32 $0x1BFF;
	s21 =	sshll.u32 s6, $0x1;
	s3 =	sadd.s32 s4, s19  }
0x9c: {  	s7 =	simm.s32 $0x0;
	s20 =	sshll.u32 s5, $0x1;
	s5 =	sadd.s32 s21, s3  }
0x9d: {  	[timem:s7], [sflag:s22] =	dma.local [hbm:s5], s20  }
0x9e: {  	_ =	swait.ge [sflag:s22], s20  }
0x9f: {  	s4 =	ssub.s32 $0x0, s20;
	[sflag:s22] =	ssyncset.done $0x0  }
0xa0: {  	[sflag:s22] =	ssyncadd.s32 s4;
	_ =	sdelay $0x1  }
0xa1: {  	s23 =	simm.s32 $0x1B8B  }
0xa2: {  	_ =	swait.ge [sflag:s23], $0x1  }
0xa3: {  	[sflag:s23] =	ssyncset.done $0x0  }
0xa4: {  	s25 =	simm.s32 $0x1B8E;
	s24 =	sld [smem:$0x3FFE];
	[sflag:s23] =	ssyncadd.s32 $0xFFFFFFFF  }
0xa5: {  	s26 =	simm.s32 $execute0_lowered;
	[smem:$0x3FD2] =	sst s25  }
0xa6: {  	s5 =	sshll.u32 s26, $0x1;
	_ =	strace $0x80000046;
	[dreg:$0x1] =	wrdreg $0xFFFFFFFF  }
0xa7: {  	s28 =	simm.s32 $_size_execute0_lowered;
	s3 =	sadd.s32 s3, s5;
	[dreg:$0x0] =	wrdreg $0x0  }
0xa8: {  	s5 =	sshll.u32 s28, $0x1;
	[dreg:$0x2] =	wrdreg s3  }
0xa9: {  	[dreg:$0x3] =	wrdreg s5  }
0xaa: {  	[dreg:$0x4] =	wrdreg $0xC0  }
0xab: {  	_ =	task [dreg:s7], $0x5FFFF  }
0xac: {  	[dreg:$0x1] =	wrdreg $0xFFFFFFFF  }
0xad: {  	[dreg:$0x0] =	wrdreg $0x60  }
0xae: {  	[dreg:$0x2] =	wrdreg s24  }
0xaf: {  	[dreg:$0x3] =	wrdreg s2  }
0xb0: {  	[dreg:$0x4] =	wrdreg $0x9  }
0xb1: {  	_ =	task.clear_ibuf [dreg:s7], $0x5FFFF;
	_ =	strace $0x90000046  }
0xb2: {  	s29 =	simm.s32 $0x9;
	_ =	strace $0x80000048  }
0xb3: {  	_ =	swait.ge [sflag:s29], $0x1  }
0xb4: {  	[sflag:s29] =	ssyncadd.s32 $0xFFFFFFFF  }
0xb5: {  	_ =	strace $0x90000048  }
0xb6: {  	_ =	sfence  }
0xb7: {  	s30 =	sld [smem:$0x0];
	_ =	sdelay $0x2  }
0xb8: {  	s31 =	sshll.u32 s1, $0xD;
	s1 =	sshrl.u32 s1, $0x2  }
0xb9: {  	s3 =	sand.u32 $0x4000, s31;
	s1 =	sadd.s32 s1, s30  }
0xba: {  	s0 =	sor.u32 s3, s0;
	s1 =	sshll.u32 s1, $0x11  }
0xbb: {  	s0 =	sor.u32 s1, s0  }
0xbc: {  	s0 =	sadd.s32 $0x8F2B, s0  }
0xbd: {  	[sflag:s0] =	ssyncadd.remote.s32 $0x1  }
0xbe: {  	_ =	sfence.sel $0xFFFF  }
0xbf: {  	[dreg:$0x0] =	wrdreg $0xFFFFFFFF;
	(pc) =	sbr.abs _section_cstart, $3  }
0xc0: {  	[dreg:$0x1] =	wrdreg $0xFFFFFFFF  }
0xc1: {  	_ =	task.clear_ibuf [dreg:s7], $0x2FFFF;
	_ =	strace $0x9FFFFFFF  }
0xc2: {  	(tm) =	ssettm $0x7FFFFFFF  }
0xc3: {  	_ =	shalt  }
tec
execute0_lowered:
.L_overlay_start_1:
0x0: {  	(tag) =	ssettag $0x1  }
0x1: {  	s1 =	srdreg.scid  }
0x2: {  	s11 =	rddreg [dreg:$0x0];
	s0 =	stileid.u32;
	s12 =	sand.u32 $0x1, s1  }
0x3: {  	s3 =	rddreg [dreg:$0x1];
	s4 =	sshll.u32 s0, $0x2;
	s5 =	sshll.u32 s12, $0x1  }
0x4: {  	s2 =	simm.s32 $0x0;
	s1 =	rddreg [dreg:$0x2];
	s13 =	sor.u32 s5, s4  }
0x5: {  	[smem:$0x7FF] =	sst s2;
	s4 =	sshll.u32 s13, $0x4  }
0x6: {  	_ =	strace $0x80000047;
	s4 =	sadd.s32 s3, s4;
	s3 =	simm.s32 $0x2  }
0x7: {  	[tilespmem:s2], [sflag:$0x2] =	stream.linear.gather [hbm4b:s4+s2], $0x100, $0x38;
	[tilespmem:$0x5900] =	vst v63  }
0x8: {  	_ =	swait.ge [sflag:s3], $0x100  }
0x9: {  	s6 =	simm.s32 $0x58;
	s7 =	simm.s32 $0x100;
	[sflag:s3] =	ssyncset.done $0x0  }
0xa: {  	s8 =	simm.s32 $0x80;
	s5 =	sadd.s32 $0x1200, s11;
	[sflag:s3] =	ssyncadd.s32 $0xFFFFFF00  }
0xb: {  	[tilespmem:s7], [sflag:$0x1] =	stream.indirect.gather [hbm4b:s5+s6], $0x80, s2, s6, $0xb8;
	[tilespmem:$0x5900] =	vst v63  }
0xc: {  	s9 =	simm.s32 $0x2D00;
	s10 =	simm.s32 $0x1;
	s12 =	ssub.s32 $0x2, s12  }
0xd: {  	[tilespmem:s9], [sflag:$0x1] =	stream.indirect.gather [hbm4b:s5+s6], $0x80, s8, s6, $0xb8;
	[tilespmem:$0x5900] =	vst v63  }
0xe: {  	s14 =	sshrl.u32 s12, $0x1;
	_ =	swait.ge [sflag:s10], $0x2C00  }
0xf: {  	s12 =	ssub.s32 s12, s14;
	[sflag:s10] =	ssyncset.done $0x0  }
0x10: {  	s13 =	smul.u32 $0x580, s13;
	s12 =	smax.u32 s12, $0x1;
	[sflag:s10] =	ssyncadd.s32 $0xFFFFD400  }
0x11: {  	p0 =	sne.s32 s12, $0x1;
	_ =	swait.ge [sflag:s10], $0x2C00  }
.Ltmp0:
0x12: {  	s11 =	sadd.s32 s13, s11;
	[sflag:s10] =	ssyncset.done $0x0;
	(pc) =	sbr.rel @!p0 .LBB2_2-.Ltmp0, $4  }
0x13: {  	s11 =	sadd.s32 $0x21200, s11;
	[sflag:s10] =	ssyncadd.s32 $0xFFFFD400  }
0x14: {  	[hbm4b:s11+s2] =	stream.linear.scatter [tilespmem:s7], [sflag:$0x2], $0x5800, $0x38;
	[tilespmem:$0x5900] =	vst v63  }
0x15: {  	_ =	swait.ge [sflag:s3], $0x5800  }
0x16: {  	s12 =	sadd.s32 $0xFFFFFFFF, s12;
	[sflag:s3] =	ssyncset.done $0x0  }
.LBB2_1:
0x17: {  	p0 =	sne.s32 s12, $0x1;
	s12 =	sadd.s32 $0xFFFFFFFF, s12;
	[sflag:s3] =	ssyncadd.s32 $0xFFFFA800  }
0x18: {  	[tilespmem:s2], [sflag:$0x2] =	stream.linear.gather [hbm4b:s4+s2], $0x100, $0x38;
	[tilespmem:$0x5900] =	vst v63  }
0x19: {  	_ =	swait.ge [sflag:s3], $0x100  }
0x1a: {  	[sflag:s3] =	ssyncset.done $0x0  }
0x1b: {  	[sflag:s3] =	ssyncadd.s32 $0xFFFFFF00  }
0x1c: {  	[tilespmem:s7], [sflag:$0x1] =	stream.indirect.gather [hbm4b:s5+s6], $0x80, s2, s6, $0xb8;
	[tilespmem:$0x5900] =	vst v63  }
0x1d: {  	_ = 	snop  }
0x1e: {  	[tilespmem:s9], [sflag:$0x1] =	stream.indirect.gather [hbm4b:s5+s6], $0x80, s8, s6, $0xb8;
	[tilespmem:$0x5900] =	vst v63  }
0x1f: {  	_ =	swait.ge [sflag:s10], $0x2C00  }
0x20: {  	[sflag:s10] =	ssyncset.done $0x0  }
0x21: {  	[sflag:s10] =	ssyncadd.s32 $0xFFFFD400  }
0x22: {  	_ =	swait.ge [sflag:s10], $0x2C00  }
.Ltmp1:
0x23: {  	[sflag:s10] =	ssyncset.done $0x0;
	(pc) =	sbr.rel @p0 .LBB2_1-.Ltmp1, $4  }
0x24: {  	[sflag:s10] =	ssyncadd.s32 $0xFFFFD400  }
0x25: {  	[hbm4b:s11+s2] =	stream.linear.scatter [tilespmem:s7], [sflag:$0x2], $0x5800, $0x38;
	[tilespmem:$0x5900] =	vst v63  }
0x26: {  	_ =	swait.ge [sflag:s3], $0x5800  }
0x27: {  	[sflag:s3] =	ssyncset.done $0x0  }
.LBB2_2:
0x28: {  	[sflag:s3] =	ssyncadd.s32 $0xFFFFA800  }
0x29: {  	_ =	sfence.sel $0x180000  }
0x2a: {  	[bflag:$0x0] =	sbarrier.arrive $0xFFFF  }
0x2b: {  	p0 =	sne.s32 s0, $0x0;
	_ =	strace $0x90000047  }
0x2c: {  	s0 =	sadd.s32 @!p0 $0x100000, s1;
	[bflag:$0x2] =	sbarrier.arrive $0xFFFF  }
0x2d: {  	[sflag:s0] =	ssyncadd.tile.s32 @!p0 $0x1;
	_ =	shalt  }
.Lfunc_end2:
_tile_overlayer_lowered:
.L_overlay_start_2:
0x2e: {  	(tag) =	ssettag $0x2  }
0x2f: {  	s0 =	rddreg [dreg:$0x0];
	s2 =	stileid.u32  }
0x30: {  	s1 =	rddreg [dreg:$0x1];
	p0 =	sne.s32 s2, $0x0  }
0x31: {  	s3 =	rddreg [dreg:$0x2];
	[bflag:$0x3] =	sbarrier.arrive $0xFFFF;
	s2 =	simm.s32 @!p0 $0x1C02  }
0x32: {  	[timem:s3], [sflag:s2] =	dma.local @!p0 [hbm:s0], s1  }
0x33: {  	s0 =	simm.s32 @!p0 $0x2  }
0x34: {  	_ =	swait.ge @!p0 [sflag:s0], s1  }
0x35: {  	s1 =	ssub.s32 @!p0 $0x0, s1;
	[sflag:s0] =	ssyncset.done @!p0 $0x0  }
0x36: {  	[sflag:s0] =	ssyncadd.s32 @!p0 s1  }
0x37: {  	[bflag:$0x3] =	sbarrier.arrive $0xFFFF  }
0x38: {  	_ =	shalt  }

</sc_bundles>
